<compile_context>
chip_gen: v7x
topology: tpu7x:2x2x1
jax: 0.10.2.dev20260603
libtpu: 0.0.44.dev20260713+nightly
codegen_flags: <defaults>
</compile_context>

<pallas_src>
import functools

import jax
import jax.numpy as jnp
from jax import lax
from jax.experimental import pallas as pl
from jax.experimental.pallas import tpu as pltpu
from jax.experimental.pallas import tpu_sc as plsc

N = 4096
E = 131072
IN_F = 256
OUT_F = 64
H = 4
NW = 32
EPW = E // NW
ROWB = 1024
NRB = N // ROWB


def _proj_body(x_ref, wr_ref, ac_ref, projt_ref, c_ref, cmax_ref):
    r = pl.program_id(0)
    xt = jnp.dot(x_ref[...], wr_ref[...], preferred_element_type=jnp.float32)
    p = jnp.dot(xt, ac_ref[...], preferred_element_type=jnp.float32)
    pt = p.T
    projt_ref[...] = pt
    pm = jnp.max(pt, axis=1, keepdims=True)

    @pl.when(r == 0)
    def _():
        cmax_ref[...] = pm

    @pl.when(r > 0)
    def _():
        cmax_ref[...] = jnp.maximum(cmax_ref[...], pm)

    @pl.when(r == NRB - 1)
    def _():
        cm = cmax_ref[...]
        mub = cm[:H, :] + cm[H:, :]
        cb = jnp.maximum(mub, mub * 0.2)
        c_ref[...] = jnp.broadcast_to(cb, (H, 16))


_proj_call = pl.pallas_call(
    _proj_body,
    grid=(NRB,),
    in_specs=[
        pl.BlockSpec((ROWB, IN_F), lambda r: (r, 0)),
        pl.BlockSpec((IN_F, H * OUT_F), lambda r: (0, 0)),
        pl.BlockSpec((IN_F, 2 * H), lambda r: (0, 0)),
    ],
    out_specs=[
        pl.BlockSpec((2 * H, ROWB), lambda r: (0, r)),
        pl.BlockSpec((H, 16), lambda r: (0, 0)),
    ],
    out_shape=[
        jax.ShapeDtypeStruct((2 * H, N), jnp.float32),
        jax.ShapeDtypeStruct((H, 16), jnp.float32),
    ],
    scratch_shapes=[pltpu.VMEM((2 * H, 1), jnp.float32)],
)


def _edge_kernel_body(projt_hbm, edge_hbm, c_hbm,
                      d0_out, d1_out, d2_out, d3_out, self_out,
                      projt_v, src_v, dst_v, c_v,
                      d0_v, d1_v, d2_v, d3_v, self_v):
    wid = lax.axis_index("s") * 2 + lax.axis_index("c")
    base = wid * EPW
    pltpu.sync_copy(projt_hbm, projt_v)
    pltpu.sync_copy(edge_hbm.at[0, pl.ds(base, EPW)], src_v)
    pltpu.sync_copy(edge_hbm.at[1, pl.ds(base, EPW)], dst_v)
    pltpu.sync_copy(c_hbm, c_v)

    den_refs = [d0_v, d1_v, d2_v, d3_v]
    zeros16 = jnp.zeros((16,), jnp.float32)
    ones16 = jnp.ones((16,), jnp.float32)

    @plsc.parallel_loop(0, N // 16, unroll=8)
    def _(i):
        sl = pl.ds(i * 16, 16)
        d0_v[sl] = zeros16
        d1_v[sl] = zeros16
        d2_v[sl] = zeros16
        d3_v[sl] = zeros16
        self_v[sl] = zeros16

    cvecs = [c_v[h, :] for h in range(H)]
    rows = [jnp.full((16,), h, jnp.int32) for h in range(2 * H)]

    @plsc.parallel_loop(0, EPW // 16, unroll=4)
    def _(i):
        sl = pl.ds(i * 16, 16)
        s16 = src_v[sl]
        d16 = dst_v[sl]
        plsc.addupdate_scatter(
            self_v, [d16], jnp.where(s16 == d16, ones16, zeros16)
        )
        for h in range(H):
            gs = plsc.load_gather(projt_v, [rows[h], s16])
            gd = plsc.load_gather(projt_v, [rows[H + h], d16])
            t = gs + gd
            e = jnp.maximum(t, t * 0.2)
            v = jnp.exp(e - cvecs[h])
            plsc.addupdate_scatter(den_refs[h], [d16], v)

    pltpu.sync_copy(d0_v, d0_out.at[wid])
    pltpu.sync_copy(d1_v, d1_out.at[wid])
    pltpu.sync_copy(d2_v, d2_out.at[wid])
    pltpu.sync_copy(d3_v, d3_out.at[wid])
    pltpu.sync_copy(self_v, self_out.at[wid])


@functools.lru_cache(maxsize=1)
def _make_edge_kernel():
    mesh = plsc.VectorSubcoreMesh(core_axis_name="c", subcore_axis_name="s")
    return pl.kernel(
        _edge_kernel_body,
        out_type=[jax.ShapeDtypeStruct((NW, N), jnp.float32)] * 5,
        mesh=mesh,
        compiler_params=pltpu.CompilerParams(needs_layout_passes=False),
        scratch_types=[
            pltpu.VMEM((2 * H, N), jnp.float32),
            pltpu.VMEM((EPW,), jnp.int32),
            pltpu.VMEM((EPW,), jnp.int32),
            pltpu.VMEM((H, 16), jnp.float32),
            pltpu.VMEM((N,), jnp.float32),
            pltpu.VMEM((N,), jnp.float32),
            pltpu.VMEM((N,), jnp.float32),
            pltpu.VMEM((N,), jnp.float32),
            pltpu.VMEM((N,), jnp.float32),
        ],
    )


def _fin_body(x_ref, wr_ref, d0_ref, d1_ref, d2_ref, d3_ref, self_ref,
              projt_ref, c_ref, exp_ref, out_ref):
    dens = [jnp.sum(d[...], axis=0, keepdims=True)
            for d in (d0_ref, d1_ref, d2_ref, d3_ref)]
    den = jnp.concatenate(dens, axis=0)
    cnt = jnp.sum(self_ref[...], axis=0, keepdims=True)
    t = projt_ref[:H, :] + projt_ref[H:, :]
    e = jnp.maximum(t, t * 0.2)
    v = jnp.exp(e - c_ref[:, 0:1])
    scale = jnp.where(cnt > 0.0, v / (den + 1e-16), 0.0)
    wide = lax.dot_general(
        scale, exp_ref[...],
        dimension_numbers=(((0,), (0,)), ((), ())),
        preferred_element_type=jnp.float32,
    )
    xt = jnp.dot(x_ref[...], wr_ref[...], preferred_element_type=jnp.float32)
    out_ref[...] = xt * wide


_fin_call = pl.pallas_call(
    _fin_body,
    grid=(NRB,),
    in_specs=[
        pl.BlockSpec((ROWB, IN_F), lambda r: (r, 0)),
        pl.BlockSpec((IN_F, H * OUT_F), lambda r: (0, 0)),
        pl.BlockSpec((NW, ROWB), lambda r: (0, r)),
        pl.BlockSpec((NW, ROWB), lambda r: (0, r)),
        pl.BlockSpec((NW, ROWB), lambda r: (0, r)),
        pl.BlockSpec((NW, ROWB), lambda r: (0, r)),
        pl.BlockSpec((NW, ROWB), lambda r: (0, r)),
        pl.BlockSpec((2 * H, ROWB), lambda r: (0, r)),
        pl.BlockSpec((H, 16), lambda r: (0, 0)),
        pl.BlockSpec((H, H * OUT_F), lambda r: (0, 0)),
    ],
    out_specs=pl.BlockSpec((ROWB, H * OUT_F), lambda r: (r, 0)),
    out_shape=jax.ShapeDtypeStruct((N, H * OUT_F), jnp.float32),
)


def kernel(x, edge_index, W, a):
    x = x.astype(jnp.float32)
    Wr = jnp.transpose(W, (1, 0, 2)).reshape(IN_F, H * OUT_F).astype(jnp.float32)
    a2 = a[..., 0].astype(jnp.float32)
    eye = jnp.eye(H, dtype=jnp.float32)
    ac_s = (a2[:, :OUT_F][:, :, None] * eye[:, None, :]).reshape(H * OUT_F, H)
    ac_d = (a2[:, OUT_F:][:, :, None] * eye[:, None, :]).reshape(H * OUT_F, H)
    Ac = jnp.concatenate([ac_s, ac_d], axis=1)

    projt, c_splat = _proj_call(x, Wr, Ac)

    edges = edge_index.astype(jnp.int32)
    d0, d1, d2, d3, self_parts = _make_edge_kernel()(projt, edges, c_splat)

    expander = jnp.repeat(jnp.eye(H, dtype=jnp.float32), OUT_F, axis=1)
    out = _fin_call(
        x, Wr, d0, d1, d2, d3, self_parts,
        projt, c_splat, expander,
    )
    return out

# --- scband reference (transcript-rebuilt; emitter-appended) ---
"""Pipeline reference for scband-gatlayer-43138651521644 (READ-ONLY COPY).

The authoritative reference and input builder live on the scoring server;
editing this copy changes nothing except your own understanding.
"""

import jax, jax.numpy as jnp
import numpy as np

N = 4096
E = 131072
IN_F = 256
OUT_F = 64
H = 4


def _xavier_uniform(key, shape, gain):
    fan_in, fan_out = shape[-2], shape[-1]
    bound = gain * np.sqrt(6.0 / (fan_in + fan_out))
    return jax.random.uniform(key, shape, jnp.float32, -bound, bound)


def setup_inputs(seed: int = 0) -> dict:
    key = jax.random.key(seed)
    k1, k2, k3, k4 = jax.random.split(key, 4)
    x = jax.random.normal(k1, (N, IN_F), dtype=jnp.float32)
    edge_index = jax.random.randint(k2, (2, E), 0, N, dtype=jnp.int32)
    W = _xavier_uniform(k3, (H, IN_F, OUT_F), 1.414)
    a = _xavier_uniform(k4, (H, 2 * OUT_F, 1), 1.414)
    return {"x": x, "edge_index": edge_index, "W": W, "a": a}


def reference(x, edge_index, W, a):
    # Faithful translation of GATLayer.forward (eval mode: dropout = identity).
    num_nodes = x.shape[0]
    x_transformed = jnp.einsum('ni,hio->hno', x, W)
    src = edge_index[0]
    dst = edge_index[1]
    edge_features = jnp.concatenate([x_transformed[:, src, :], x_transformed[:, dst, :]], axis=2)
    e = jax.nn.leaky_relu(jnp.einsum('hei,hio->heo', edge_features, a), negative_slope=0.2)
    e = jnp.squeeze(e, axis=-1)
    attention_heads = []
    for h in range(H):
        vals = jnp.exp(e[h] - jnp.max(e[h]))
        alpha = jnp.zeros((num_nodes, num_nodes), dtype=x.dtype).at[src, dst].set(vals)
        # read back after scatter-set (duplicate edges overwrite, matching torch semantics)
        got = alpha[src, dst]
        alpha_sum = jnp.zeros((num_nodes,), dtype=x.dtype).at[dst].add(got)
        denom = alpha_sum[dst] + 1e-16
        alpha = alpha.at[src, dst].set(got / denom)
        attention_heads.append(alpha)
    attention = jnp.stack(attention_heads, axis=0)
    # torch.einsum('hnn,hno->hno') takes the DIAGONAL of attention (repeated index in one operand);
    # numpy/jax einsum has identical semantics, so this is faithful.
    out = jnp.einsum('hnn,hno->hno', attention, x_transformed)
    # concat=True path
    return jnp.transpose(out, (1, 0, 2)).reshape(num_nodes, -1)

if __name__ == "__main__":
    import jax
    _d = setup_inputs()
    print(jax.jit(kernel)(*tuple(_d.values())))

</pallas_src>

<mosaic_0001>
#map = affine_map<(d0, d1) -> (0, 0)>
module attributes {stable_mosaic.version = 14 : i64} {
  func.func @_edge_kernel_body(%arg0: i32, %arg1: i32, %arg2: memref<8x4096xf32, #tpu.memory_space<hbm>>, %arg3: memref<2x131072xi32, #tpu.memory_space<hbm>>, %arg4: memref<4x16xf32, #tpu.memory_space<hbm>>, %arg5: memref<32x4096xf32, #tpu.memory_space<hbm>>, %arg6: memref<32x4096xf32, #tpu.memory_space<hbm>>, %arg7: memref<32x4096xf32, #tpu.memory_space<hbm>>, %arg8: memref<32x4096xf32, #tpu.memory_space<hbm>>, %arg9: memref<32x4096xf32, #tpu.memory_space<hbm>>, %arg10: memref<8x4096xf32, #tpu.memory_space<vmem>>, %arg11: memref<4096xi32, #tpu.memory_space<vmem>>, %arg12: memref<4096xi32, #tpu.memory_space<vmem>>, %arg13: memref<4x16xf32, #tpu.memory_space<vmem>>, %arg14: memref<4096xf32, #tpu.memory_space<vmem>>, %arg15: memref<4096xf32, #tpu.memory_space<vmem>>, %arg16: memref<4096xf32, #tpu.memory_space<vmem>>, %arg17: memref<4096xf32, #tpu.memory_space<vmem>>, %arg18: memref<4096xf32, #tpu.memory_space<vmem>>) attributes {dimension_semantics = [#tpu.dimension_semantics<core_parallel>, #tpu.dimension_semantics<subcore_parallel>], iteration_bounds = array<i64: 2, 16>, scalar_prefetch = 0 : i64, scratch_operands = 9 : i64, tpu.core_type = #tpu.core_type<sc_vector_subcore>, window_params = [{transform_indices = #map}, {transform_indices = #map}, {transform_indices = #map}, {transform_indices = #map}, {transform_indices = #map}, {transform_indices = #map}, {transform_indices = #map}, {transform_indices = #map}]} {
    %mul3A = arith.constant 2 : i32
    %mul3A_0 = arith.muli %arg1, %mul3A : i32
    %add3A = arith.addi %mul3A_0, %arg0 : i32
    %mul3A_1 = arith.constant 4096 : i32
    %mul3A_2 = arith.muli %add3A, %mul3A_1 : i32
    "tpu.region"() ({
      %run_scoped3A_43 = tpu.sem_alloc : memref<!tpu.dma_semaphore, #tpu.memory_space<semaphore_mem>>
      tpu.enqueue_dma source(%arg2 : memref<8x4096xf32, #tpu.memory_space<hbm>>) target(%arg10 : memref<8x4096xf32, #tpu.memory_space<vmem>>) target_semaphore(%run_scoped3A_43 : memref<!tpu.dma_semaphore, #tpu.memory_space<semaphore_mem>>)
      tpu.wait_dma2 semaphore(%run_scoped3A_43 : memref<!tpu.dma_semaphore, #tpu.memory_space<semaphore_mem>>) src(%arg2 : memref<8x4096xf32, #tpu.memory_space<hbm>>) dst(%arg10 : memref<8x4096xf32, #tpu.memory_space<vmem>>)
      tpu.yield
    }) : () -> ()
    %run_scoped3A = arith.constant 0 : i32
    "tpu.region"() ({
      %run_scoped3A_43 = tpu.sem_alloc : memref<!tpu.dma_semaphore, #tpu.memory_space<semaphore_mem>>
      %dma_start3A = tpu.memref_slice %arg3[%run_scoped3A, %mul3A_2] : memref<2x131072xi32, #tpu.memory_space<hbm>> -> memref<1x4096xi32, #tpu.memory_space<hbm>>
      %dma_start3A_44 = tpu.memref_squeeze %dma_start3A : memref<1x4096xi32, #tpu.memory_space<hbm>> -> memref<4096xi32, #tpu.memory_space<hbm>>
      %dma_start3A_45 = tpu.memref_slice %arg3[%run_scoped3A, %mul3A_2] : memref<2x131072xi32, #tpu.memory_space<hbm>> -> memref<1x4096xi32, #tpu.memory_space<hbm>>
      %dma_start3A_46 = tpu.memref_squeeze %dma_start3A_45 : memref<1x4096xi32, #tpu.memory_space<hbm>> -> memref<4096xi32, #tpu.memory_space<hbm>>
      tpu.enqueue_dma source(%dma_start3A_46 : memref<4096xi32, #tpu.memory_space<hbm>>) target(%arg11 : memref<4096xi32, #tpu.memory_space<vmem>>) target_semaphore(%run_scoped3A_43 : memref<!tpu.dma_semaphore, #tpu.memory_space<semaphore_mem>>)
      %dma_wait3A = tpu.memref_slice %arg3[%run_scoped3A, %mul3A_2] : memref<2x131072xi32, #tpu.memory_space<hbm>> -> memref<1x4096xi32, #tpu.memory_space<hbm>>
      %dma_wait3A_47 = tpu.memref_squeeze %dma_wait3A : memref<1x4096xi32, #tpu.memory_space<hbm>> -> memref<4096xi32, #tpu.memory_space<hbm>>
      %dma_wait3A_48 = tpu.memref_slice %arg3[%run_scoped3A, %mul3A_2] : memref<2x131072xi32, #tpu.memory_space<hbm>> -> memref<1x4096xi32, #tpu.memory_space<hbm>>
      %dma_wait3A_49 = tpu.memref_squeeze %dma_wait3A_48 : memref<1x4096xi32, #tpu.memory_space<hbm>> -> memref<4096xi32, #tpu.memory_space<hbm>>
      tpu.wait_dma2 semaphore(%run_scoped3A_43 : memref<!tpu.dma_semaphore, #tpu.memory_space<semaphore_mem>>) src(%dma_wait3A_49 : memref<4096xi32, #tpu.memory_space<hbm>>) dst(%arg11 : memref<4096xi32, #tpu.memory_space<vmem>>)
      tpu.yield
    }) : () -> ()
    %run_scoped3A_3 = arith.constant 1 : i32
    "tpu.region"() ({
      %run_scoped3A_43 = tpu.sem_alloc : memref<!tpu.dma_semaphore, #tpu.memory_space<semaphore_mem>>
      %dma_start3A = tpu.memref_slice %arg3[%run_scoped3A_3, %mul3A_2] : memref<2x131072xi32, #tpu.memory_space<hbm>> -> memref<1x4096xi32, #tpu.memory_space<hbm>>
      %dma_start3A_44 = tpu.memref_squeeze %dma_start3A : memref<1x4096xi32, #tpu.memory_space<hbm>> -> memref<4096xi32, #tpu.memory_space<hbm>>
      %dma_start3A_45 = tpu.memref_slice %arg3[%run_scoped3A_3, %mul3A_2] : memref<2x131072xi32, #tpu.memory_space<hbm>> -> memref<1x4096xi32, #tpu.memory_space<hbm>>
      %dma_start3A_46 = tpu.memref_squeeze %dma_start3A_45 : memref<1x4096xi32, #tpu.memory_space<hbm>> -> memref<4096xi32, #tpu.memory_space<hbm>>
      tpu.enqueue_dma source(%dma_start3A_46 : memref<4096xi32, #tpu.memory_space<hbm>>) target(%arg12 : memref<4096xi32, #tpu.memory_space<vmem>>) target_semaphore(%run_scoped3A_43 : memref<!tpu.dma_semaphore, #tpu.memory_space<semaphore_mem>>)
      %dma_wait3A = tpu.memref_slice %arg3[%run_scoped3A_3, %mul3A_2] : memref<2x131072xi32, #tpu.memory_space<hbm>> -> memref<1x4096xi32, #tpu.memory_space<hbm>>
      %dma_wait3A_47 = tpu.memref_squeeze %dma_wait3A : memref<1x4096xi32, #tpu.memory_space<hbm>> -> memref<4096xi32, #tpu.memory_space<hbm>>
      %dma_wait3A_48 = tpu.memref_slice %arg3[%run_scoped3A_3, %mul3A_2] : memref<2x131072xi32, #tpu.memory_space<hbm>> -> memref<1x4096xi32, #tpu.memory_space<hbm>>
      %dma_wait3A_49 = tpu.memref_squeeze %dma_wait3A_48 : memref<1x4096xi32, #tpu.memory_space<hbm>> -> memref<4096xi32, #tpu.memory_space<hbm>>
      tpu.wait_dma2 semaphore(%run_scoped3A_43 : memref<!tpu.dma_semaphore, #tpu.memory_space<semaphore_mem>>) src(%dma_wait3A_49 : memref<4096xi32, #tpu.memory_space<hbm>>) dst(%arg12 : memref<4096xi32, #tpu.memory_space<vmem>>)
      tpu.yield
    }) : () -> ()
    "tpu.region"() ({
      %run_scoped3A_43 = tpu.sem_alloc : memref<!tpu.dma_semaphore, #tpu.memory_space<semaphore_mem>>
      tpu.enqueue_dma source(%arg4 : memref<4x16xf32, #tpu.memory_space<hbm>>) target(%arg13 : memref<4x16xf32, #tpu.memory_space<vmem>>) target_semaphore(%run_scoped3A_43 : memref<!tpu.dma_semaphore, #tpu.memory_space<semaphore_mem>>)
      tpu.wait_dma2 semaphore(%run_scoped3A_43 : memref<!tpu.dma_semaphore, #tpu.memory_space<semaphore_mem>>) src(%arg4 : memref<4x16xf32, #tpu.memory_space<hbm>>) dst(%arg13 : memref<4x16xf32, #tpu.memory_space<vmem>>)
      tpu.yield
    }) : () -> ()
    %broadcast_in_dim3A = arith.constant 0.000000e+00 : f32
    %broadcast_in_dim3A_4 = vector.broadcast %broadcast_in_dim3A : f32 to vector<16xf32>
    %broadcast_in_dim3A_5 = arith.constant 1.000000e+00 : f32
    %broadcast_in_dim3A_6 = vector.broadcast %broadcast_in_dim3A_5 : f32 to vector<16xf32>
    %parallel_loop3A = arith.constant 0 : i32
    %parallel_loop3A_7 = arith.constant 256 : i32
    %parallel_loop3A_8 = arith.constant 1 : i32
    scf.for %parallel_loop3A_43 = %parallel_loop3A to %parallel_loop3A_7 step %parallel_loop3A_8  : i32 {
      %parallel_loop3A_44 = arith.constant 16 : i32
      %parallel_loop3A_45 = arith.muli %parallel_loop3A_43, %parallel_loop3A_44 : i32
      %parallel_loop3A_46 = arith.index_cast %parallel_loop3A_45 : i32 to index
      %parallel_loop3A_47 = tpu.vector_load %arg14[%parallel_loop3A_46] {strides = array<i32>} : memref<4096xf32, #tpu.memory_space<vmem>>, vector<16xf32>,
      tpu.vector_store %arg14[%parallel_loop3A_46], %broadcast_in_dim3A_4 {strides = array<i32>} : memref<4096xf32, #tpu.memory_space<vmem>>, vector<16xf32>,
      %parallel_loop3A_48 = arith.index_cast %parallel_loop3A_45 : i32 to index
      %parallel_loop3A_49 = tpu.vector_load %arg15[%parallel_loop3A_48] {strides = array<i32>} : memref<4096xf32, #tpu.memory_space<vmem>>, vector<16xf32>,
      tpu.vector_store %arg15[%parallel_loop3A_48], %broadcast_in_dim3A_4 {strides = array<i32>} : memref<4096xf32, #tpu.memory_space<vmem>>, vector<16xf32>,
      %parallel_loop3A_50 = arith.index_cast %parallel_loop3A_45 : i32 to index
      %parallel_loop3A_51 = tpu.vector_load %arg16[%parallel_loop3A_50] {strides = array<i32>} : memref<4096xf32, #tpu.memory_space<vmem>>, vector<16xf32>,
      tpu.vector_store %arg16[%parallel_loop3A_50], %broadcast_in_dim3A_4 {strides = array<i32>} : memref<4096xf32, #tpu.memory_space<vmem>>, vector<16xf32>,
      %parallel_loop3A_52 = arith.index_cast %parallel_loop3A_45 : i32 to index
      %parallel_loop3A_53 = tpu.vector_load %arg17[%parallel_loop3A_52] {strides = array<i32>} : memref<4096xf32, #tpu.memory_space<vmem>>, vector<16xf32>,
      tpu.vector_store %arg17[%parallel_loop3A_52], %broadcast_in_dim3A_4 {strides = array<i32>} : memref<4096xf32, #tpu.memory_space<vmem>>, vector<16xf32>,
      %parallel_loop3A_54 = arith.index_cast %parallel_loop3A_45 : i32 to index
      %parallel_loop3A_55 = tpu.vector_load %arg18[%parallel_loop3A_54] {strides = array<i32>} : memref<4096xf32, #tpu.memory_space<vmem>>, vector<16xf32>,
      tpu.vector_store %arg18[%parallel_loop3A_54], %broadcast_in_dim3A_4 {strides = array<i32>} : memref<4096xf32, #tpu.memory_space<vmem>>, vector<16xf32>,
    } {sc.loop_unroll_factor = 8 : i64, sc.parallel_access}
    %get3A = arith.constant 0 : i32
    %get3A_9 = arith.index_cast %get3A : i32 to index
    %get3A_10 = arith.constant 0 : index
    %get3A_11 = tpu.vector_load %arg13[%get3A_9, %get3A_10] {strides = array<i32>} : memref<4x16xf32, #tpu.memory_space<vmem>>, vector<16xf32>,
    %get3A_12 = arith.constant 1 : i32
    %get3A_13 = arith.index_cast %get3A_12 : i32 to index
    %get3A_14 = arith.constant 0 : index
    %get3A_15 = tpu.vector_load %arg13[%get3A_13, %get3A_14] {strides = array<i32>} : memref<4x16xf32, #tpu.memory_space<vmem>>, vector<16xf32>,
    %get3A_16 = arith.constant 2 : i32
    %get3A_17 = arith.index_cast %get3A_16 : i32 to index
    %get3A_18 = arith.constant 0 : index
    %get3A_19 = tpu.vector_load %arg13[%get3A_17, %get3A_18] {strides = array<i32>} : memref<4x16xf32, #tpu.memory_space<vmem>>, vector<16xf32>,
    %get3A_20 = arith.constant 3 : i32
    %get3A_21 = arith.index_cast %get3A_20 : i32 to index
    %get3A_22 = arith.constant 0 : index
    %get3A_23 = tpu.vector_load %arg13[%get3A_21, %get3A_22] {strides = array<i32>} : memref<4x16xf32, #tpu.memory_space<vmem>>, vector<16xf32>,
    %broadcast_in_dim3A_24 = arith.constant 0 : i32
    %broadcast_in_dim3A_25 = vector.broadcast %broadcast_in_dim3A_24 : i32 to vector<16xi32>
    %broadcast_in_dim3A_26 = arith.constant 1 : i32
    %broadcast_in_dim3A_27 = vector.broadcast %broadcast_in_dim3A_26 : i32 to vector<16xi32>
    %broadcast_in_dim3A_28 = arith.constant 2 : i32
    %broadcast_in_dim3A_29 = vector.broadcast %broadcast_in_dim3A_28 : i32 to vector<16xi32>
    %broadcast_in_dim3A_30 = arith.constant 3 : i32
    %broadcast_in_dim3A_31 = vector.broadcast %broadcast_in_dim3A_30 : i32 to vector<16xi32>
    %broadcast_in_dim3A_32 = arith.constant 4 : i32
    %broadcast_in_dim3A_33 = vector.broadcast %broadcast_in_dim3A_32 : i32 to vector<16xi32>
    %broadcast_in_dim3A_34 = arith.constant 5 : i32
    %broadcast_in_dim3A_35 = vector.broadcast %broadcast_in_dim3A_34 : i32 to vector<16xi32>
    %broadcast_in_dim3A_36 = arith.constant 6 : i32
    %broadcast_in_dim3A_37 = vector.broadcast %broadcast_in_dim3A_36 : i32 to vector<16xi32>
    %broadcast_in_dim3A_38 = arith.constant 7 : i32
    %broadcast_in_dim3A_39 = vector.broadcast %broadcast_in_dim3A_38 : i32 to vector<16xi32>
    %parallel_loop3A_40 = arith.constant 0 : i32
    %parallel_loop3A_41 = arith.constant 256 : i32
    %parallel_loop3A_42 = arith.constant 1 : i32
    scf.for %parallel_loop3A_43 = %parallel_loop3A_40 to %parallel_loop3A_41 step %parallel_loop3A_42  : i32 {
      %parallel_loop3A_44 = arith.constant 16 : i32
      %parallel_loop3A_45 = arith.muli %parallel_loop3A_43, %parallel_loop3A_44 : i32
      %parallel_loop3A_46 = arith.index_cast %parallel_loop3A_45 : i32 to index
      %parallel_loop3A_47 = tpu.vector_load %arg11[%parallel_loop3A_46] {strides = array<i32>} : memref<4096xi32, #tpu.memory_space<vmem>>, vector<16xi32>,
      %parallel_loop3A_48 = arith.index_cast %parallel_loop3A_45 : i32 to index
      %parallel_loop3A_49 = tpu.vector_load %arg12[%parallel_loop3A_48] {strides = array<i32>} : memref<4096xi32, #tpu.memory_space<vmem>>, vector<16xi32>,
      %parallel_loop3A_50 = arith.cmpi eq, %parallel_loop3A_47, %parallel_loop3A_49 : vector<16xi32>
      %parallel_loop3A_51 = arith.select %parallel_loop3A_50, %broadcast_in_dim3A_6, %broadcast_in_dim3A_4 : vector<16xi1>, vector<16xf32>
      tpu.vector_store_idx %arg18[%parallel_loop3A_49], %parallel_loop3A_51 {add = true} : memref<4096xf32, #tpu.memory_space<vmem>>[vector<16xi32>], vector<16xf32>,
      %parallel_loop3A_52 = tpu.vector_load_idx %arg10[%broadcast_in_dim3A_25, %parallel_loop3A_47] : memref<8x4096xf32, #tpu.memory_space<vmem>>[vector<16xi32>, vector<16xi32>], vector<16xf32>,
      %parallel_loop3A_53 = tpu.vector_load_idx %arg10[%broadcast_in_dim3A_33, %parallel_loop3A_49] : memref<8x4096xf32, #tpu.memory_space<vmem>>[vector<16xi32>, vector<16xi32>], vector<16xf32>,
      %parallel_loop3A_54 = arith.addf %parallel_loop3A_52, %parallel_loop3A_53 : vector<16xf32>
      %parallel_loop3A_55 = arith.constant 2.000000e-01 : f32
      %parallel_loop3A_56 = vector.broadcast %parallel_loop3A_55 : f32 to vector<16xf32>
      %parallel_loop3A_57 = arith.mulf %parallel_loop3A_54, %parallel_loop3A_56 : vector<16xf32>
      %parallel_loop3A_58 = arith.maximumf %parallel_loop3A_54, %parallel_loop3A_57 : vector<16xf32>
      %parallel_loop3A_59 = arith.subf %parallel_loop3A_58, %get3A_11 : vector<16xf32>
      %parallel_loop3A_60 = math.exp %parallel_loop3A_59 : vector<16xf32>
      tpu.vector_store_idx %arg14[%parallel_loop3A_49], %parallel_loop3A_60 {add = true} : memref<4096xf32, #tpu.memory_space<vmem>>[vector<16xi32>], vector<16xf32>,
      %parallel_loop3A_61 = tpu.vector_load_idx %arg10[%broadcast_in_dim3A_27, %parallel_loop3A_47] : memref<8x4096xf32, #tpu.memory_space<vmem>>[vector<16xi32>, vector<16xi32>], vector<16xf32>,
      %parallel_loop3A_62 = tpu.vector_load_idx %arg10[%broadcast_in_dim3A_35, %parallel_loop3A_49] : memref<8x4096xf32, #tpu.memory_space<vmem>>[vector<16xi32>, vector<16xi32>], vector<16xf32>,
      %parallel_loop3A_63 = arith.addf %parallel_loop3A_61, %parallel_loop3A_62 : vector<16xf32>
      %parallel_loop3A_64 = arith.constant 2.000000e-01 : f32
      %parallel_loop3A_65 = vector.broadcast %parallel_loop3A_64 : f32 to vector<16xf32>
      %parallel_loop3A_66 = arith.mulf %parallel_loop3A_63, %parallel_loop3A_65 : vector<16xf32>
      %parallel_loop3A_67 = arith.maximumf %parallel_loop3A_63, %parallel_loop3A_66 : vector<16xf32>
      %parallel_loop3A_68 = arith.subf %parallel_loop3A_67, %get3A_15 : vector<16xf32>
      %parallel_loop3A_69 = math.exp %parallel_loop3A_68 : vector<16xf32>
      tpu.vector_store_idx %arg15[%parallel_loop3A_49], %parallel_loop3A_69 {add = true} : memref<4096xf32, #tpu.memory_space<vmem>>[vector<16xi32>], vector<16xf32>,
      %parallel_loop3A_70 = tpu.vector_load_idx %arg10[%broadcast_in_dim3A_29, %parallel_loop3A_47] : memref<8x4096xf32, #tpu.memory_space<vmem>>[vector<16xi32>, vector<16xi32>], vector<16xf32>,
      %parallel_loop3A_71 = tpu.vector_load_idx %arg10[%broadcast_in_dim3A_37, %parallel_loop3A_49] : memref<8x4096xf32, #tpu.memory_space<vmem>>[vector<16xi32>, vector<16xi32>], vector<16xf32>,
      %parallel_loop3A_72 = arith.addf %parallel_loop3A_70, %parallel_loop3A_71 : vector<16xf32>
      %parallel_loop3A_73 = arith.constant 2.000000e-01 : f32
      %parallel_loop3A_74 = vector.broadcast %parallel_loop3A_73 : f32 to vector<16xf32>
      %parallel_loop3A_75 = arith.mulf %parallel_loop3A_72, %parallel_loop3A_74 : vector<16xf32>
      %parallel_loop3A_76 = arith.maximumf %parallel_loop3A_72, %parallel_loop3A_75 : vector<16xf32>
      %parallel_loop3A_77 = arith.subf %parallel_loop3A_76, %get3A_19 : vector<16xf32>
      %parallel_loop3A_78 = math.exp %parallel_loop3A_77 : vector<16xf32>
      tpu.vector_store_idx %arg16[%parallel_loop3A_49], %parallel_loop3A_78 {add = true} : memref<4096xf32, #tpu.memory_space<vmem>>[vector<16xi32>], vector<16xf32>,
      %parallel_loop3A_79 = tpu.vector_load_idx %arg10[%broadcast_in_dim3A_31, %parallel_loop3A_47] : memref<8x4096xf32, #tpu.memory_space<vmem>>[vector<16xi32>, vector<16xi32>], vector<16xf32>,
      %parallel_loop3A_80 = tpu.vector_load_idx %arg10[%broadcast_in_dim3A_39, %parallel_loop3A_49] : memref<8x4096xf32, #tpu.memory_space<vmem>>[vector<16xi32>, vector<16xi32>], vector<16xf32>,
      %parallel_loop3A_81 = arith.addf %parallel_loop3A_79, %parallel_loop3A_80 : vector<16xf32>
      %parallel_loop3A_82 = arith.constant 2.000000e-01 : f32
      %parallel_loop3A_83 = vector.broadcast %parallel_loop3A_82 : f32 to vector<16xf32>
      %parallel_loop3A_84 = arith.mulf %parallel_loop3A_81, %parallel_loop3A_83 : vector<16xf32>
      %parallel_loop3A_85 = arith.maximumf %parallel_loop3A_81, %parallel_loop3A_84 : vector<16xf32>
      %parallel_loop3A_86 = arith.subf %parallel_loop3A_85, %get3A_23 : vector<16xf32>
      %parallel_loop3A_87 = math.exp %parallel_loop3A_86 : vector<16xf32>
      tpu.vector_store_idx %arg17[%parallel_loop3A_49], %parallel_loop3A_87 {add = true} : memref<4096xf32, #tpu.memory_space<vmem>>[vector<16xi32>], vector<16xf32>,
    } {sc.loop_unroll_factor = 4 : i64, sc.parallel_access}
    "tpu.region"() ({
      %run_scoped3A_43 = tpu.sem_alloc : memref<!tpu.dma_semaphore, #tpu.memory_space<semaphore_mem>>
      %dma_start3A = arith.constant 0 : i32
      %dma_start3A_44 = tpu.memref_slice %arg5[%add3A, %dma_start3A] : memref<32x4096xf32, #tpu.memory_space<hbm>> -> memref<1x4096xf32, #tpu.memory_space<hbm>>
      %dma_start3A_45 = tpu.memref_squeeze %dma_start3A_44 : memref<1x4096xf32, #tpu.memory_space<hbm>> -> memref<4096xf32, #tpu.memory_space<hbm>>
      %dma_start3A_46 = arith.constant 0 : i32
      %dma_start3A_47 = tpu.memref_slice %arg5[%add3A, %dma_start3A_46] : memref<32x4096xf32, #tpu.memory_space<hbm>> -> memref<1x4096xf32, #tpu.memory_space<hbm>>
      %dma_start3A_48 = tpu.memref_squeeze %dma_start3A_47 : memref<1x4096xf32, #tpu.memory_space<hbm>> -> memref<4096xf32, #tpu.memory_space<hbm>>
      tpu.enqueue_dma source(%arg14 : memref<4096xf32, #tpu.memory_space<vmem>>) target(%dma_start3A_48 : memref<4096xf32, #tpu.memory_space<hbm>>) target_semaphore(%run_scoped3A_43 : memref<!tpu.dma_semaphore, #tpu.memory_space<semaphore_mem>>)
      %dma_wait3A = arith.constant 0 : i32
      %dma_wait3A_49 = tpu.memref_slice %arg5[%add3A, %dma_wait3A] : memref<32x4096xf32, #tpu.memory_space<hbm>> -> memref<1x4096xf32, #tpu.memory_space<hbm>>
      %dma_wait3A_50 = tpu.memref_squeeze %dma_wait3A_49 : memref<1x4096xf32, #tpu.memory_space<hbm>> -> memref<4096xf32, #tpu.memory_space<hbm>>
      %dma_wait3A_51 = arith.constant 0 : i32
      %dma_wait3A_52 = tpu.memref_slice %arg5[%add3A, %dma_wait3A_51] : memref<32x4096xf32, #tpu.memory_space<hbm>> -> memref<1x4096xf32, #tpu.memory_space<hbm>>
      %dma_wait3A_53 = tpu.memref_squeeze %dma_wait3A_52 : memref<1x4096xf32, #tpu.memory_space<hbm>> -> memref<4096xf32, #tpu.memory_space<hbm>>
      tpu.wait_dma2 semaphore(%run_scoped3A_43 : memref<!tpu.dma_semaphore, #tpu.memory_space<semaphore_mem>>) src(%arg14 : memref<4096xf32, #tpu.memory_space<vmem>>) dst(%dma_wait3A_53 : memref<4096xf32, #tpu.memory_space<hbm>>)
      tpu.yield
    }) : () -> ()
    "tpu.region"() ({
      %run_scoped3A_43 = tpu.sem_alloc : memref<!tpu.dma_semaphore, #tpu.memory_space<semaphore_mem>>
      %dma_start3A = arith.constant 0 : i32
      %dma_start3A_44 = tpu.memref_slice %arg6[%add3A, %dma_start3A] : memref<32x4096xf32, #tpu.memory_space<hbm>> -> memref<1x4096xf32, #tpu.memory_space<hbm>>
      %dma_start3A_45 = tpu.memref_squeeze %dma_start3A_44 : memref<1x4096xf32, #tpu.memory_space<hbm>> -> memref<4096xf32, #tpu.memory_space<hbm>>
      %dma_start3A_46 = arith.constant 0 : i32
      %dma_start3A_47 = tpu.memref_slice %arg6[%add3A, %dma_start3A_46] : memref<32x4096xf32, #tpu.memory_space<hbm>> -> memref<1x4096xf32, #tpu.memory_space<hbm>>
      %dma_start3A_48 = tpu.memref_squeeze %dma_start3A_47 : memref<1x4096xf32, #tpu.memory_space<hbm>> -> memref<4096xf32, #tpu.memory_space<hbm>>
      tpu.enqueue_dma source(%arg15 : memref<4096xf32, #tpu.memory_space<vmem>>) target(%dma_start3A_48 : memref<4096xf32, #tpu.memory_space<hbm>>) target_semaphore(%run_scoped3A_43 : memref<!tpu.dma_semaphore, #tpu.memory_space<semaphore_mem>>)
      %dma_wait3A = arith.constant 0 : i32
      %dma_wait3A_49 = tpu.memref_slice %arg6[%add3A, %dma_wait3A] : memref<32x4096xf32, #tpu.memory_space<hbm>> -> memref<1x4096xf32, #tpu.memory_space<hbm>>
      %dma_wait3A_50 = tpu.memref_squeeze %dma_wait3A_49 : memref<1x4096xf32, #tpu.memory_space<hbm>> -> memref<4096xf32, #tpu.memory_space<hbm>>
      %dma_wait3A_51 = arith.constant 0 : i32
      %dma_wait3A_52 = tpu.memref_slice %arg6[%add3A, %dma_wait3A_51] : memref<32x4096xf32, #tpu.memory_space<hbm>> -> memref<1x4096xf32, #tpu.memory_space<hbm>>
      %dma_wait3A_53 = tpu.memref_squeeze %dma_wait3A_52 : memref<1x4096xf32, #tpu.memory_space<hbm>> -> memref<4096xf32, #tpu.memory_space<hbm>>
      tpu.wait_dma2 semaphore(%run_scoped3A_43 : memref<!tpu.dma_semaphore, #tpu.memory_space<semaphore_mem>>) src(%arg15 : memref<4096xf32, #tpu.memory_space<vmem>>) dst(%dma_wait3A_53 : memref<4096xf32, #tpu.memory_space<hbm>>)
      tpu.yield
    }) : () -> ()
    "tpu.region"() ({
      %run_scoped3A_43 = tpu.sem_alloc : memref<!tpu.dma_semaphore, #tpu.memory_space<semaphore_mem>>
      %dma_start3A = arith.constant 0 : i32
      %dma_start3A_44 = tpu.memref_slice %arg7[%add3A, %dma_start3A] : memref<32x4096xf32, #tpu.memory_space<hbm>> -> memref<1x4096xf32, #tpu.memory_space<hbm>>
      %dma_start3A_45 = tpu.memref_squeeze %dma_start3A_44 : memref<1x4096xf32, #tpu.memory_space<hbm>> -> memref<4096xf32, #tpu.memory_space<hbm>>
      %dma_start3A_46 = arith.constant 0 : i32
      %dma_start3A_47 = tpu.memref_slice %arg7[%add3A, %dma_start3A_46] : memref<32x4096xf32, #tpu.memory_space<hbm>> -> memref<1x4096xf32, #tpu.memory_space<hbm>>
      %dma_start3A_48 = tpu.memref_squeeze %dma_start3A_47 : memref<1x4096xf32, #tpu.memory_space<hbm>> -> memref<4096xf32, #tpu.memory_space<hbm>>
      tpu.enqueue_dma source(%arg16 : memref<4096xf32, #tpu.memory_space<vmem>>) target(%dma_start3A_48 : memref<4096xf32, #tpu.memory_space<hbm>>) target_semaphore(%run_scoped3A_43 : memref<!tpu.dma_semaphore, #tpu.memory_space<semaphore_mem>>)
      %dma_wait3A = arith.constant 0 : i32
      %dma_wait3A_49 = tpu.memref_slice %arg7[%add3A, %dma_wait3A] : memref<32x4096xf32, #tpu.memory_space<hbm>> -> memref<1x4096xf32, #tpu.memory_space<hbm>>
      %dma_wait3A_50 = tpu.memref_squeeze %dma_wait3A_49 : memref<1x4096xf32, #tpu.memory_space<hbm>> -> memref<4096xf32, #tpu.memory_space<hbm>>
      %dma_wait3A_51 = arith.constant 0 : i32
      %dma_wait3A_52 = tpu.memref_slice %arg7[%add3A, %dma_wait3A_51] : memref<32x4096xf32, #tpu.memory_space<hbm>> -> memref<1x4096xf32, #tpu.memory_space<hbm>>
      %dma_wait3A_53 = tpu.memref_squeeze %dma_wait3A_52 : memref<1x4096xf32, #tpu.memory_space<hbm>> -> memref<4096xf32, #tpu.memory_space<hbm>>
      tpu.wait_dma2 semaphore(%run_scoped3A_43 : memref<!tpu.dma_semaphore, #tpu.memory_space<semaphore_mem>>) src(%arg16 : memref<4096xf32, #tpu.memory_space<vmem>>) dst(%dma_wait3A_53 : memref<4096xf32, #tpu.memory_space<hbm>>)
      tpu.yield
    }) : () -> ()
    "tpu.region"() ({
      %run_scoped3A_43 = tpu.sem_alloc : memref<!tpu.dma_semaphore, #tpu.memory_space<semaphore_mem>>
      %dma_start3A = arith.constant 0 : i32
      %dma_start3A_44 = tpu.memref_slice %arg8[%add3A, %dma_start3A] : memref<32x4096xf32, #tpu.memory_space<hbm>> -> memref<1x4096xf32, #tpu.memory_space<hbm>>
      %dma_start3A_45 = tpu.memref_squeeze %dma_start3A_44 : memref<1x4096xf32, #tpu.memory_space<hbm>> -> memref<4096xf32, #tpu.memory_space<hbm>>
      %dma_start3A_46 = arith.constant 0 : i32
      %dma_start3A_47 = tpu.memref_slice %arg8[%add3A, %dma_start3A_46] : memref<32x4096xf32, #tpu.memory_space<hbm>> -> memref<1x4096xf32, #tpu.memory_space<hbm>>
      %dma_start3A_48 = tpu.memref_squeeze %dma_start3A_47 : memref<1x4096xf32, #tpu.memory_space<hbm>> -> memref<4096xf32, #tpu.memory_space<hbm>>
      tpu.enqueue_dma source(%arg17 : memref<4096xf32, #tpu.memory_space<vmem>>) target(%dma_start3A_48 : memref<4096xf32, #tpu.memory_space<hbm>>) target_semaphore(%run_scoped3A_43 : memref<!tpu.dma_semaphore, #tpu.memory_space<semaphore_mem>>)
      %dma_wait3A = arith.constant 0 : i32
      %dma_wait3A_49 = tpu.memref_slice %arg8[%add3A, %dma_wait3A] : memref<32x4096xf32, #tpu.memory_space<hbm>> -> memref<1x4096xf32, #tpu.memory_space<hbm>>
      %dma_wait3A_50 = tpu.memref_squeeze %dma_wait3A_49 : memref<1x4096xf32, #tpu.memory_space<hbm>> -> memref<4096xf32, #tpu.memory_space<hbm>>
      %dma_wait3A_51 = arith.constant 0 : i32
      %dma_wait3A_52 = tpu.memref_slice %arg8[%add3A, %dma_wait3A_51] : memref<32x4096xf32, #tpu.memory_space<hbm>> -> memref<1x4096xf32, #tpu.memory_space<hbm>>
      %dma_wait3A_53 = tpu.memref_squeeze %dma_wait3A_52 : memref<1x4096xf32, #tpu.memory_space<hbm>> -> memref<4096xf32, #tpu.memory_space<hbm>>
      tpu.wait_dma2 semaphore(%run_scoped3A_43 : memref<!tpu.dma_semaphore, #tpu.memory_space<semaphore_mem>>) src(%arg17 : memref<4096xf32, #tpu.memory_space<vmem>>) dst(%dma_wait3A_53 : memref<4096xf32, #tpu.memory_space<hbm>>)
      tpu.yield
    }) : () -> ()
    "tpu.region"() ({
      %run_scoped3A_43 = tpu.sem_alloc : memref<!tpu.dma_semaphore, #tpu.memory_space<semaphore_mem>>
      %dma_start3A = arith.constant 0 : i32
      %dma_start3A_44 = tpu.memref_slice %arg9[%add3A, %dma_start3A] : memref<32x4096xf32, #tpu.memory_space<hbm>> -> memref<1x4096xf32, #tpu.memory_space<hbm>>
      %dma_start3A_45 = tpu.memref_squeeze %dma_start3A_44 : memref<1x4096xf32, #tpu.memory_space<hbm>> -> memref<4096xf32, #tpu.memory_space<hbm>>
      %dma_start3A_46 = arith.constant 0 : i32
      %dma_start3A_47 = tpu.memref_slice %arg9[%add3A, %dma_start3A_46] : memref<32x4096xf32, #tpu.memory_space<hbm>> -> memref<1x4096xf32, #tpu.memory_space<hbm>>
      %dma_start3A_48 = tpu.memref_squeeze %dma_start3A_47 : memref<1x4096xf32, #tpu.memory_space<hbm>> -> memref<4096xf32, #tpu.memory_space<hbm>>
      tpu.enqueue_dma source(%arg18 : memref<4096xf32, #tpu.memory_space<vmem>>) target(%dma_start3A_48 : memref<4096xf32, #tpu.memory_space<hbm>>) target_semaphore(%run_scoped3A_43 : memref<!tpu.dma_semaphore, #tpu.memory_space<semaphore_mem>>)
      %dma_wait3A = arith.constant 0 : i32
      %dma_wait3A_49 = tpu.memref_slice %arg9[%add3A, %dma_wait3A] : memref<32x4096xf32, #tpu.memory_space<hbm>> -> memref<1x4096xf32, #tpu.memory_space<hbm>>
      %dma_wait3A_50 = tpu.memref_squeeze %dma_wait3A_49 : memref<1x4096xf32, #tpu.memory_space<hbm>> -> memref<4096xf32, #tpu.memory_space<hbm>>
      %dma_wait3A_51 = arith.constant 0 : i32
      %dma_wait3A_52 = tpu.memref_slice %arg9[%add3A, %dma_wait3A_51] : memref<32x4096xf32, #tpu.memory_space<hbm>> -> memref<1x4096xf32, #tpu.memory_space<hbm>>
      %dma_wait3A_53 = tpu.memref_squeeze %dma_wait3A_52 : memref<1x4096xf32, #tpu.memory_space<hbm>> -> memref<4096xf32, #tpu.memory_space<hbm>>
      tpu.wait_dma2 semaphore(%run_scoped3A_43 : memref<!tpu.dma_semaphore, #tpu.memory_space<semaphore_mem>>) src(%arg18 : memref<4096xf32, #tpu.memory_space<vmem>>) dst(%dma_wait3A_53 : memref<4096xf32, #tpu.memory_space<hbm>>)
      tpu.yield
    }) : () -> ()
    return
  }
}

module attributes {stable_mosaic.version = 14 : i64} {
  func.func @_fin_body(%arg0: i32, %arg1: memref<1024x256xf32, #tpu.memory_space<vmem>>, %arg2: memref<256x256xf32, #tpu.memory_space<vmem>>, %arg3: memref<32x1024xf32, #tpu.memory_space<vmem>>, %arg4: memref<32x1024xf32, #tpu.memory_space<vmem>>, %arg5: memref<32x1024xf32, #tpu.memory_space<vmem>>, %arg6: memref<32x1024xf32, #tpu.memory_space<vmem>>, %arg7: memref<32x1024xf32, #tpu.memory_space<vmem>>, %arg8: memref<8x1024xf32, #tpu.memory_space<vmem>>, %arg9: memref<4x16xf32, #tpu.memory_space<vmem>>, %arg10: memref<4x256xf32, #tpu.memory_space<vmem>>, %arg11: memref<1024x256xf32, #tpu.memory_space<vmem>>) attributes {dimension_semantics = [#tpu.dimension_semantics<arbitrary>], iteration_bounds = array<i64: 4>, scalar_prefetch = 0 : i64, scratch_operands = 0 : i64, tpu.core_type = #tpu.core_type<tc>, window_params = [{transform_indices = @transform_0, window_bounds = array<i64: 1024, 256>}, {pipeline_mode = #tpu.pipeline_mode<synchronous>, transform_indices = @transform_1, window_bounds = array<i64: 256, 256>}, {transform_indices = @transform_2, window_bounds = array<i64: 32, 1024>}, {transform_indices = @transform_3, window_bounds = array<i64: 32, 1024>}, {transform_indices = @transform_4, window_bounds = array<i64: 32, 1024>}, {transform_indices = @transform_5, window_bounds = array<i64: 32, 1024>}, {transform_indices = @transform_6, window_bounds = array<i64: 32, 1024>}, {transform_indices = @transform_7, window_bounds = array<i64: 8, 1024>}, {pipeline_mode = #tpu.pipeline_mode<synchronous>, transform_indices = @transform_8, window_bounds = array<i64: 4, 16>}, {pipeline_mode = #tpu.pipeline_mode<synchronous>, transform_indices = @transform_9, window_bounds = array<i64: 4, 256>}, {transform_indices = @transform_10, window_bounds = array<i64: 1024, 256>}]} {
    %get3A = arith.constant 0 : index
    %get3A_0 = arith.constant 0 : index
    %get3A_1 = vector.load %arg3[%get3A, %get3A_0] : memref<32x1024xf32, #tpu.memory_space<vmem>>, vector<32x1024xf32>
    %reduce_sum3A = arith.constant dense<0.000000e+00> : vector<1024xf32>
    %reduce_sum3A_2 = vector.multi_reduction <add>, %get3A_1, %reduce_sum3A [0] : vector<32x1024xf32> to vector<1024xf32>
    %broadcast_in_dim3A = vector.shape_cast %reduce_sum3A_2 : vector<1024xf32> to vector<1x1024xf32>
    %get3A_3 = arith.constant 0 : index
    %get3A_4 = arith.constant 0 : index
    %get3A_5 = vector.load %arg4[%get3A_3, %get3A_4] : memref<32x1024xf32, #tpu.memory_space<vmem>>, vector<32x1024xf32>
    %reduce_sum3A_6 = arith.constant dense<0.000000e+00> : vector<1024xf32>
    %reduce_sum3A_7 = vector.multi_reduction <add>, %get3A_5, %reduce_sum3A_6 [0] : vector<32x1024xf32> to vector<1024xf32>
    %broadcast_in_dim3A_8 = vector.shape_cast %reduce_sum3A_7 : vector<1024xf32> to vector<1x1024xf32>
    %get3A_9 = arith.constant 0 : index
    %get3A_10 = arith.constant 0 : index
    %get3A_11 = vector.load %arg5[%get3A_9, %get3A_10] : memref<32x1024xf32, #tpu.memory_space<vmem>>, vector<32x1024xf32>
    %reduce_sum3A_12 = arith.constant dense<0.000000e+00> : vector<1024xf32>
    %reduce_sum3A_13 = vector.multi_reduction <add>, %get3A_11, %reduce_sum3A_12 [0] : vector<32x1024xf32> to vector<1024xf32>
    %broadcast_in_dim3A_14 = vector.shape_cast %reduce_sum3A_13 : vector<1024xf32> to vector<1x1024xf32>
    %get3A_15 = arith.constant 0 : index
    %get3A_16 = arith.constant 0 : index
    %get3A_17 = vector.load %arg6[%get3A_15, %get3A_16] : memref<32x1024xf32, #tpu.memory_space<vmem>>, vector<32x1024xf32>
    %reduce_sum3A_18 = arith.constant dense<0.000000e+00> : vector<1024xf32>
    %reduce_sum3A_19 = vector.multi_reduction <add>, %get3A_17, %reduce_sum3A_18 [0] : vector<32x1024xf32> to vector<1024xf32>
    %broadcast_in_dim3A_20 = vector.shape_cast %reduce_sum3A_19 : vector<1024xf32> to vector<1x1024xf32>
    %concatenate3A = tpu.concatenate %broadcast_in_dim3A, %broadcast_in_dim3A_8, %broadcast_in_dim3A_14, %broadcast_in_dim3A_20 in 0 : vector<1x1024xf32>, vector<1x1024xf32>, vector<1x1024xf32>, vector<1x1024xf32> -> vector<4x1024xf32>
    %get3A_21 = arith.constant 0 : index
    %get3A_22 = arith.constant 0 : index
    %get3A_23 = vector.load %arg7[%get3A_21, %get3A_22] : memref<32x1024xf32, #tpu.memory_space<vmem>>, vector<32x1024xf32>
    %reduce_sum3A_24 = arith.constant dense<0.000000e+00> : vector<1024xf32>
    %reduce_sum3A_25 = vector.multi_reduction <add>, %get3A_23, %reduce_sum3A_24 [0] : vector<32x1024xf32> to vector<1024xf32>
    %broadcast_in_dim3A_26 = vector.shape_cast %reduce_sum3A_25 : vector<1024xf32> to vector<1x1024xf32>
    %get3A_27 = arith.constant 0 : index
    %get3A_28 = arith.constant 0 : index
    %get3A_29 = vector.load %arg8[%get3A_27, %get3A_28] : memref<8x1024xf32, #tpu.memory_space<vmem>>, vector<4x1024xf32>
    %get3A_30 = arith.constant 4 : index
    %get3A_31 = arith.constant 0 : index
    %get3A_32 = vector.load %arg8[%get3A_30, %get3A_31] : memref<8x1024xf32, #tpu.memory_space<vmem>>, vector<4x1024xf32>
    %add3A = arith.addf %get3A_29, %get3A_32 : vector<4x1024xf32>
    %mul3A = arith.constant 2.000000e-01 : f32
    %mul3A_33 = vector.broadcast %mul3A : f32 to vector<4x1024xf32>
    %mul3A_34 = arith.mulf %add3A, %mul3A_33 : vector<4x1024xf32>
    %max3A = arith.maximumf %add3A, %mul3A_34 : vector<4x1024xf32>
    %get3A_35 = arith.constant 0 : index
    %get3A_36 = arith.constant 0 : index
    %get3A_37 = vector.load %arg9[%get3A_35, %get3A_36] : memref<4x16xf32, #tpu.memory_space<vmem>>, vector<4x1xf32>
    %sub3A = vector.broadcast %get3A_37 : vector<4x1xf32> to vector<4x1024xf32>
    %sub3A_38 = arith.subf %max3A, %sub3A : vector<4x1024xf32>
    %exp3A = math.exp %sub3A_38 : vector<4x1024xf32>
    %gt3A = arith.constant 0.000000e+00 : f32
    %gt3A_39 = vector.broadcast %gt3A : f32 to vector<1x1024xf32>
    %gt3A_40 = arith.cmpf ogt, %broadcast_in_dim3A_26, %gt3A_39 : vector<1x1024xf32>
    %add3A_41 = arith.constant 1.000000e-16 : f32
    %add3A_42 = vector.broadcast %add3A_41 : f32 to vector<4x1024xf32>
    %add3A_43 = arith.addf %concatenate3A, %add3A_42 : vector<4x1024xf32>
    %div3A = arith.divf %exp3A, %add3A_43 : vector<4x1024xf32>
    %jit3A = arith.constant 0.000000e+00 : f32
    %broadcast_in_dim3A_44 = vector.shape_cast %gt3A_40 : vector<1x1024xi1> to vector<1x1024xi1>
    %broadcast_in_dim3A_45 = vector.broadcast %broadcast_in_dim3A_44 : vector<1x1024xi1> to vector<4x1024xi1>
    %broadcast_in_dim3A_46 = vector.broadcast %jit3A : f32 to vector<4x1024xf32>
    %select_n3A = arith.select %broadcast_in_dim3A_45, %div3A, %broadcast_in_dim3A_46 : vector<4x1024xi1>, vector<4x1024xf32>
    %get3A_47 = arith.constant 0 : index
    %get3A_48 = arith.constant 0 : index
    %get3A_49 = vector.load %arg10[%get3A_47, %get3A_48] : memref<4x256xf32, #tpu.memory_space<vmem>>, vector<4x256xf32>
    %dot_general3A = arith.constant dense<0.000000e+00> : vector<1024x256xf32>
    %dot_general3A_50 = tpu.matmul %select_n3A, %get3A_49, %dot_general3A {dimension_numbers = #tpu.dot_dimension_numbers<[0], [0], [1], [1], [0, 1, 1, 1], [], []>, transpose_lhs_hint = false} : vector<4x1024xf32>, vector<4x256xf32>, vector<1024x256xf32> -> vector<1024x256xf32>
    %get3A_51 = arith.constant 0 : index
    %get3A_52 = arith.constant 0 : index
    %get3A_53 = vector.load %arg1[%get3A_51, %get3A_52] : memref<1024x256xf32, #tpu.memory_space<vmem>>, vector<1024x256xf32>
    %get3A_54 = arith.constant 0 : index
    %get3A_55 = arith.constant 0 : index
    %get3A_56 = vector.load %arg2[%get3A_54, %get3A_55] : memref<256x256xf32, #tpu.memory_space<vmem>>, vector<256x256xf32>
    %dot_general3A_57 = arith.constant dense<0.000000e+00> : vector<1024x256xf32>
    %dot_general3A_58 = tpu.matmul %get3A_53, %get3A_56, %dot_general3A_57 {dimension_numbers = #tpu.dot_dimension_numbers<[1], [0], [0], [1], [0, 0, 1, 1], [], []>, transpose_lhs_hint = false} : vector<1024x256xf32>, vector<256x256xf32>, vector<1024x256xf32> -> vector<1024x256xf32>
    %mul3A_59 = arith.mulf %dot_general3A_58, %dot_general3A_50 : vector<1024x256xf32>
    %swap3A = arith.constant 0 : index
    %swap3A_60 = arith.constant 0 : index
    %swap3A_61 = vector.load %arg11[%swap3A, %swap3A_60] : memref<1024x256xf32, #tpu.memory_space<vmem>>, vector<1024x256xf32>
    tpu.vector_store %arg11[%swap3A, %swap3A_60], %mul3A_59 {strides = array<i32>} : memref<1024x256xf32, #tpu.memory_space<vmem>>, vector<1024x256xf32>,
    return
  }
  func.func @transform_0(%arg0: i32) -> (i32, i32) {
    %c0_i32 = arith.constant 0 : i32
    %c0_i32_0 = arith.constant 0 : i32
    return %arg0, %c0_i32 : i32, i32
  }
  func.func @transform_1(%arg0: i32) -> (i32, i32) {
    %c0_i32 = arith.constant 0 : i32
    %c0_i32_0 = arith.constant 0 : i32
    %c0_i32_1 = arith.constant 0 : i32
    return %c0_i32, %c0_i32_0 : i32, i32
  }
  func.func @transform_2(%arg0: i32) -> (i32, i32) {
    %c0_i32 = arith.constant 0 : i32
    %c0_i32_0 = arith.constant 0 : i32
    return %c0_i32, %arg0 : i32, i32
  }
  func.func @transform_3(%arg0: i32) -> (i32, i32) {
    %c0_i32 = arith.constant 0 : i32
    %c0_i32_0 = arith.constant 0 : i32
    return %c0_i32, %arg0 : i32, i32
  }
  func.func @transform_4(%arg0: i32) -> (i32, i32) {
    %c0_i32 = arith.constant 0 : i32
    %c0_i32_0 = arith.constant 0 : i32
    return %c0_i32, %arg0 : i32, i32
  }
  func.func @transform_5(%arg0: i32) -> (i32, i32) {
    %c0_i32 = arith.constant 0 : i32
    %c0_i32_0 = arith.constant 0 : i32
    return %c0_i32, %arg0 : i32, i32
  }
  func.func @transform_6(%arg0: i32) -> (i32, i32) {
    %c0_i32 = arith.constant 0 : i32
    %c0_i32_0 = arith.constant 0 : i32
    return %c0_i32, %arg0 : i32, i32
  }
  func.func @transform_7(%arg0: i32) -> (i32, i32) {
    %c0_i32 = arith.constant 0 : i32
    %c0_i32_0 = arith.constant 0 : i32
    return %c0_i32, %arg0 : i32, i32
  }
  func.func @transform_8(%arg0: i32) -> (i32, i32) {
    %c0_i32 = arith.constant 0 : i32
    %c0_i32_0 = arith.constant 0 : i32
    %c0_i32_1 = arith.constant 0 : i32
    return %c0_i32, %c0_i32_0 : i32, i32
  }
  func.func @transform_9(%arg0: i32) -> (i32, i32) {
    %c0_i32 = arith.constant 0 : i32
    %c0_i32_0 = arith.constant 0 : i32
    %c0_i32_1 = arith.constant 0 : i32
    return %c0_i32, %c0_i32_0 : i32, i32
  }
  func.func @transform_10(%arg0: i32) -> (i32, i32) {
    %c0_i32 = arith.constant 0 : i32
    %c0_i32_0 = arith.constant 0 : i32
    return %arg0, %c0_i32 : i32, i32
  }
}

module attributes {stable_mosaic.version = 14 : i64} {
  func.func @_proj_body(%arg0: i32, %arg1: memref<1024x256xf32, #tpu.memory_space<vmem>>, %arg2: memref<256x256xf32, #tpu.memory_space<vmem>>, %arg3: memref<256x8xf32, #tpu.memory_space<vmem>>, %arg4: memref<8x1024xf32, #tpu.memory_space<vmem>>, %arg5: memref<4x16xf32, #tpu.memory_space<vmem>>, %arg6: memref<8x1xf32, #tpu.memory_space<vmem>>) attributes {dimension_semantics = [#tpu.dimension_semantics<arbitrary>], iteration_bounds = array<i64: 4>, scalar_prefetch = 0 : i64, scratch_operands = 1 : i64, tpu.core_type = #tpu.core_type<tc>, window_params = [{transform_indices = @transform_0, window_bounds = array<i64: 1024, 256>}, {pipeline_mode = #tpu.pipeline_mode<synchronous>, transform_indices = @transform_1, window_bounds = array<i64: 256, 256>}, {pipeline_mode = #tpu.pipeline_mode<synchronous>, transform_indices = @transform_2, window_bounds = array<i64: 256, 8>}, {transform_indices = @transform_3, window_bounds = array<i64: 8, 1024>}, {pipeline_mode = #tpu.pipeline_mode<synchronous>, transform_indices = @transform_4, window_bounds = array<i64: 4, 16>}]} {
    %get3A = arith.constant 0 : index
    %get3A_0 = arith.constant 0 : index
    %get3A_1 = vector.load %arg1[%get3A, %get3A_0] : memref<1024x256xf32, #tpu.memory_space<vmem>>, vector<1024x256xf32>
    %get3A_2 = arith.constant 0 : index
    %get3A_3 = arith.constant 0 : index
    %get3A_4 = vector.load %arg2[%get3A_2, %get3A_3] : memref<256x256xf32, #tpu.memory_space<vmem>>, vector<256x256xf32>
    %dot_general3A = arith.constant dense<0.000000e+00> : vector<1024x256xf32>
    %dot_general3A_5 = tpu.matmul %get3A_1, %get3A_4, %dot_general3A {dimension_numbers = #tpu.dot_dimension_numbers<[1], [0], [0], [1], [0, 0, 1, 1], [], []>, transpose_lhs_hint = false} : vector<1024x256xf32>, vector<256x256xf32>, vector<1024x256xf32> -> vector<1024x256xf32>
    %get3A_6 = arith.constant 0 : index
    %get3A_7 = arith.constant 0 : index
    %get3A_8 = vector.load %arg3[%get3A_6, %get3A_7] : memref<256x8xf32, #tpu.memory_space<vmem>>, vector<256x8xf32>
    %dot_general3A_9 = arith.constant dense<0.000000e+00> : vector<1024x8xf32>
    %dot_general3A_10 = tpu.matmul %dot_general3A_5, %get3A_8, %dot_general3A_9 {dimension_numbers = #tpu.dot_dimension_numbers<[1], [0], [0], [1], [0, 0, 1, 1], [], []>, transpose_lhs_hint = false} : vector<1024x256xf32>, vector<256x8xf32>, vector<1024x8xf32> -> vector<1024x8xf32>
    %transpose3A = tpu.transpose %dot_general3A_10, [1, 0] : vector<1024x8xf32> -> vector<8x1024xf32>
    %swap3A = arith.constant 0 : index
    %swap3A_11 = arith.constant 0 : index
    %swap3A_12 = vector.load %arg4[%swap3A, %swap3A_11] : memref<8x1024xf32, #tpu.memory_space<vmem>>, vector<8x1024xf32>
    tpu.vector_store %arg4[%swap3A, %swap3A_11], %transpose3A {strides = array<i32>} : memref<8x1024xf32, #tpu.memory_space<vmem>>, vector<8x1024xf32>,
    %reduce_max3A = arith.constant dense<0xFF800000> : vector<8xf32>
    %reduce_max3A_13 = vector.multi_reduction <maximumf>, %transpose3A, %reduce_max3A [1] : vector<8x1024xf32> to vector<8xf32>
    %broadcast_in_dim3A = vector.shape_cast %reduce_max3A_13 : vector<8xf32> to vector<8x1xf32>
    %eq3A = arith.constant 0 : i32
    %eq3A_14 = arith.cmpi eq, %arg0, %eq3A : i32
    %convert_element_type3A = arith.extui %eq3A_14 : i1 to i32
    %cond3A = arith.constant 0 : i32
    %cond3A_15 = arith.cmpi ne, %convert_element_type3A, %cond3A : i32
    scf.if %cond3A_15 {
      %swap3A_25 = arith.constant 0 : index
      %swap3A_26 = arith.constant 0 : index
      %swap3A_27 = vector.load %arg6[%swap3A_25, %swap3A_26] : memref<8x1xf32, #tpu.memory_space<vmem>>, vector<8x1xf32>
      tpu.vector_store %arg6[%swap3A_25, %swap3A_26], %broadcast_in_dim3A {strides = array<i32>} : memref<8x1xf32, #tpu.memory_space<vmem>>, vector<8x1xf32>,
    } else {
    }
    %gt3A = arith.constant 0 : i32
    %gt3A_16 = arith.cmpi sgt, %arg0, %gt3A : i32
    %convert_element_type3A_17 = arith.extui %gt3A_16 : i1 to i32
    %cond3A_18 = arith.constant 0 : i32
    %cond3A_19 = arith.cmpi ne, %convert_element_type3A_17, %cond3A_18 : i32
    scf.if %cond3A_19 {
      %get3A_25 = arith.constant 0 : index
      %get3A_26 = arith.constant 0 : index
      %get3A_27 = vector.load %arg6[%get3A_25, %get3A_26] : memref<8x1xf32, #tpu.memory_space<vmem>>, vector<8x1xf32>
      %max3A = arith.maximumf %get3A_27, %broadcast_in_dim3A : vector<8x1xf32>
      %swap3A_28 = arith.constant 0 : index
      %swap3A_29 = arith.constant 0 : index
      %swap3A_30 = vector.load %arg6[%swap3A_28, %swap3A_29] : memref<8x1xf32, #tpu.memory_space<vmem>>, vector<8x1xf32>
      tpu.vector_store %arg6[%swap3A_28, %swap3A_29], %max3A {strides = array<i32>} : memref<8x1xf32, #tpu.memory_space<vmem>>, vector<8x1xf32>,
    } else {
    }
    %eq3A_20 = arith.constant 3 : i32
    %eq3A_21 = arith.cmpi eq, %arg0, %eq3A_20 : i32
    %convert_element_type3A_22 = arith.extui %eq3A_21 : i1 to i32
    %cond3A_23 = arith.constant 0 : i32
    %cond3A_24 = arith.cmpi ne, %convert_element_type3A_22, %cond3A_23 : i32
    scf.if %cond3A_24 {
      %get3A_25 = arith.constant 0 : index
      %get3A_26 = arith.constant 0 : index
      %get3A_27 = vector.load %arg6[%get3A_25, %get3A_26] : memref<8x1xf32, #tpu.memory_space<vmem>>, vector<8x1xf32>
      %slice3A = vector.extract_strided_slice %get3A_27 {offsets = [0, 0], sizes = [4, 1], strides = [1, 1]} : vector<8x1xf32> to vector<4x1xf32>
      %slice3A_28 = vector.extract_strided_slice %get3A_27 {offsets = [4, 0], sizes = [4, 1], strides = [1, 1]} : vector<8x1xf32> to vector<4x1xf32>
      %add3A = arith.addf %slice3A, %slice3A_28 : vector<4x1xf32>
      %mul3A = arith.constant 2.000000e-01 : f32
      %mul3A_29 = vector.broadcast %mul3A : f32 to vector<4x1xf32>
      %mul3A_30 = arith.mulf %add3A, %mul3A_29 : vector<4x1xf32>
      %max3A = arith.maximumf %add3A, %mul3A_30 : vector<4x1xf32>
      %broadcast_in_dim3A_31 = vector.shape_cast %max3A : vector<4x1xf32> to vector<4x1xf32>
      %broadcast_in_dim3A_32 = vector.broadcast %broadcast_in_dim3A_31 : vector<4x1xf32> to vector<4x16xf32>
      %swap3A_33 = arith.constant 0 : index
      %swap3A_34 = arith.constant 0 : index
      %swap3A_35 = vector.load %arg5[%swap3A_33, %swap3A_34] : memref<4x16xf32, #tpu.memory_space<vmem>>, vector<4x16xf32>
      tpu.vector_store %arg5[%swap3A_33, %swap3A_34], %broadcast_in_dim3A_32 {strides = array<i32>} : memref<4x16xf32, #tpu.memory_space<vmem>>, vector<4x16xf32>,
    } else {
    }
    return
  }
  func.func @transform_0(%arg0: i32) -> (i32, i32) {
    %c0_i32 = arith.constant 0 : i32
    %c0_i32_0 = arith.constant 0 : i32
    return %arg0, %c0_i32 : i32, i32
  }
  func.func @transform_1(%arg0: i32) -> (i32, i32) {
    %c0_i32 = arith.constant 0 : i32
    %c0_i32_0 = arith.constant 0 : i32
    %c0_i32_1 = arith.constant 0 : i32
    return %c0_i32, %c0_i32_0 : i32, i32
  }
  func.func @transform_2(%arg0: i32) -> (i32, i32) {
    %c0_i32 = arith.constant 0 : i32
    %c0_i32_0 = arith.constant 0 : i32
    %c0_i32_1 = arith.constant 0 : i32
    return %c0_i32, %c0_i32_0 : i32, i32
  }
  func.func @transform_3(%arg0: i32) -> (i32, i32) {
    %c0_i32 = arith.constant 0 : i32
    %c0_i32_0 = arith.constant 0 : i32
    return %c0_i32, %arg0 : i32, i32
  }
  func.func @transform_4(%arg0: i32) -> (i32, i32) {
    %c0_i32 = arith.constant 0 : i32
    %c0_i32_0 = arith.constant 0 : i32
    %c0_i32_1 = arith.constant 0 : i32
    return %c0_i32, %c0_i32_0 : i32, i32
  }
}

</mosaic_0001>

<sc_bundles>
// kernel: kernel.5.cloned.1.call-start
scs
__scs_entry_jumppad:
0x0: {  	(pc) =	sbr.rel $0x88, $3  }
0x1: {  	(tag) =	ssettag $0x0;
	lr =	simm.s32 $0x1  }
0x2: {  	[smem:$0x3F9D] =	sst lr;
	_ =	strace $0xD0000000  }
0x3: {  	_ = 	snop  }
0x4: {  	_ = 	snop  }
0x5: {  	_ = 	snop  }
0x6: {  	_ = 	snop  }
0x7: {  	_ = 	snop  }
__scs_overlays_trampoline_lowered:
0x8: {  	[smem:$0x3FAC] =	sst s0  }
0x9: {  	[smem:$0x3FAD] =	sst s1  }
0xa: {  	[smem:$0x3FAE] =	sst s2  }
0xb: {  	[smem:$0x3FAF] =	sst s3  }
0xc: {  	[smem:$0x3FB0] =	sst s4  }
0xd: {  	[smem:$0x3FB1] =	sst s5  }
0xe: {  	[smem:$0x3FB2] =	sst s6  }
0xf: {  	[smem:$0x3FB3] =	sst s7  }
0x10: {  	[smem:$0x3FB4] =	sst s8  }
0x11: {  	[smem:$0x3FB5] =	sst s9;
	s0 =	simm.s32 @!p0 $0x0  }
0x12: {  	s1 =	sld [smem:$0x3F9B];
	s0 =	simm.s32 @p0 $0x1  }
0x13: {  	[smem:$0x3FB6] =	sst s0;
	s0 =	simm.s32 @!p1 $0x0  }
0x14: {  	s2 =	sld [smem:$0x3F9A];
	s0 =	simm.s32 @p1 $0x1  }
0x15: {  	[smem:$0x3FB7] =	sst s0;
	s0 =	simm.s32 @!p2 $0x0  }
0x16: {  	s3 =	sld [smem:$0x3FDB];
	s0 =	simm.s32 @p2 $0x1  }
0x17: {  	s4 =	simm.s32 $0x1BF5;
	[smem:$0x3FB9] =	sst s0  }
0x18: {  	s0 =	sld [smem:$0x3F9C];
	_ =	swait.ge [sflag:s4], $0x0  }
0x19: {  	s7 =	sld [smem:$0x3F9D]  }
0x1a: {  	s8 =	sadd.s32 $0xFFFFE003, lr  }
0x1b: {  	s9 =	sadd.s32 $0xFFFFFEF7, lr;
	s5 =	simm.s32 $0xFFFFFFFF;
	p2 =	slt.u32 s8, $0xFFFFF086  }
0x1c: {  	p1 =	slt.u32 s9, $0xF7A;
	s5 =	simm.s32 @!p2 $0x0  }
0x1d: {  	s5 =	simm.s32 @p1 $0x1;
	p0 =	seq.s32 s7, s2  }
0x1e: {  	s7 =	smul.u32 @!p0 $0xF7A, s2;
	p2 =	seq.s32 @!p0 s5, $0x0  }
0x1f: {  	s9 =	smul.u32 $0xF7A, s1;
	s8 =	simm.s32 @!p0 $0x1BF5;
	p2 =	por !p2, p0  }
0x20: {  	[sflag:s8] =	ssyncset.s32 @!p0 $0xFFFFF086;
	s6 =	sadd.s32 @!p0 s3, s7;
	s7 =	simm.s32 @!p0 $0x108  }
0x21: {  	s3 =	sadd.s32 s3, s9;
	s6 =	sadd.s32 @!p0 $0x88, s6;
	s7 =	simm.s32 @p2 $0x1082  }
0x22: {  	[simem:s7], [sflag:s8] =	dma.local @!p0 [hbm:s6], $0xF7A  }
0x23: {  	s9 =	sor.u32 $0xD0000000, s2;
	s6 =	simm.s32 $0x108;
	_ =	swait.ge @!p0 [sflag:s8], $0x0  }
0x24: {  	s3 =	sadd.s32 $0x88, s3;
	s6 =	simm.s32 @!p1 $0x1082;
	[sflag:s4] =	ssyncset.s32 $0xFFFFF086  }
0x25: {  	[simem:s6], [sflag:s4] =	dma.local [hbm:s3], $0xF7A  }
0x26: {  	[smem:$0x3F9D] =	sst s1;
	(tag) =	ssettag s2;
	_ =	strace s9  }
0x27: {  	s1 =	sld [smem:$0x3FAD]  }
0x28: {  	s2 =	sld [smem:$0x3FAE]  }
0x29: {  	s4 =	sld [smem:$0x3FB0]  }
0x2a: {  	p0 =	seq.s32 s5, $0x0;
	s5 =	sld [smem:$0x3FB1]  }
0x2b: {  	s6 =	sld [smem:$0x3FB2]  }
0x2c: {  	s7 =	sld [smem:$0x3FB3]  }
0x2d: {  	s3 =	simm.s32 $0x108;
	s8 =	sld [smem:$0x3FB4]  }
0x2e: {  	s3 =	simm.s32 @!p0 $0x1082;
	s9 =	sld [smem:$0x3FB5]  }
0x2f: {  	lr =	sadd.s32 s0, s3;
	s0 =	sld [smem:$0x3FAC]  }
0x30: {  	s3 =	sld [smem:$0x3FAF]  }
0x31: {  	[smem:$0x3FB8] =	sst s10  }
0x32: {  	s10 =	sld [smem:$0x3FB6];
	_ =	sdelay $0x3  }
0x33: {  	p0 =	seq.s32 s10, $0x1;
	s10 =	sld [smem:$0x3FB8];
	_ =	sdelay $0x3  }
0x34: {  	[smem:$0x3FB8] =	sst s10  }
0x35: {  	s10 =	sld [smem:$0x3FB7];
	_ =	sdelay $0x3  }
0x36: {  	p1 =	seq.s32 s10, $0x1;
	s10 =	sld [smem:$0x3FB8];
	_ =	sdelay $0x3  }
0x37: {  	[smem:$0x3FB8] =	sst s10  }
0x38: {  	s10 =	sld [smem:$0x3FB9]  }
0x39: {  	_ = 	snop;
	(pc) =	sbr.ind lr, $3  }
0x3a: {  	_ = 	snop  }
0x3b: {  	_ = 	snop  }
0x3c: {  	p2 =	seq.s32 s10, $0x1;
	s10 =	sld [smem:$0x3FB8]  }
0x3d: {  	_ =	shalt  }
0x3e: {  	_ =	shalt  }
0x3f: {  	_ =	shalt  }
0x40: {  	_ =	shalt  }
0x41: {  	_ =	shalt  }
0x42: {  	_ =	shalt  }
0x43: {  	_ =	shalt  }
0x44: {  	_ =	shalt  }
0x45: {  	_ =	shalt  }
0x46: {  	_ =	shalt  }
0x47: {  	_ =	shalt  }
0x48: {  	_ =	shalt  }
0x49: {  	_ =	shalt  }
0x4a: {  	_ =	shalt  }
0x4b: {  	_ =	shalt  }
0x4c: {  	_ =	shalt  }
0x4d: {  	_ =	shalt  }
0x4e: {  	_ =	shalt  }
0x4f: {  	_ =	shalt  }
0x50: {  	_ =	shalt  }
0x51: {  	_ =	shalt  }
0x52: {  	_ =	shalt  }
0x53: {  	_ =	shalt  }
0x54: {  	_ =	shalt  }
0x55: {  	_ =	shalt  }
0x56: {  	_ =	shalt  }
0x57: {  	_ =	shalt  }
0x58: {  	_ =	shalt  }
0x59: {  	_ =	shalt  }
0x5a: {  	_ =	shalt  }
0x5b: {  	_ =	shalt  }
0x5c: {  	_ =	shalt  }
0x5d: {  	_ =	shalt  }
0x5e: {  	_ =	shalt  }
0x5f: {  	_ =	shalt  }
0x60: {  	_ =	shalt  }
0x61: {  	_ =	shalt  }
0x62: {  	_ =	shalt  }
0x63: {  	_ =	shalt  }
0x64: {  	_ =	shalt  }
0x65: {  	_ =	shalt  }
0x66: {  	_ =	shalt  }
0x67: {  	_ =	shalt  }
0x68: {  	_ =	shalt  }
0x69: {  	_ =	shalt  }
0x6a: {  	_ =	shalt  }
0x6b: {  	_ =	shalt  }
0x6c: {  	_ =	shalt  }
0x6d: {  	_ =	shalt  }
0x6e: {  	_ =	shalt  }
0x6f: {  	_ =	shalt  }
0x70: {  	_ =	shalt  }
0x71: {  	_ =	shalt  }
0x72: {  	_ =	shalt  }
0x73: {  	_ =	shalt  }
0x74: {  	_ =	shalt  }
0x75: {  	_ =	shalt  }
0x76: {  	_ =	shalt  }
0x77: {  	_ =	shalt  }
0x78: {  	_ =	shalt  }
0x79: {  	_ =	shalt  }
0x7a: {  	_ =	shalt  }
0x7b: {  	_ =	shalt  }
0x7c: {  	_ =	shalt  }
0x7d: {  	_ =	shalt  }
0x7e: {  	_ =	shalt  }
0x7f: {  	_ =	shalt  }
0x80: {  	_ =	shalt  }
0x81: {  	_ =	shalt  }
0x82: {  	_ =	shalt  }
0x83: {  	_ =	shalt  }
0x84: {  	_ =	shalt  }
0x85: {  	_ =	shalt  }
0x86: {  	_ =	shalt  }
0x87: {  	_ =	shalt  }
.Lfunc_end0:
.L_simem_size_0:
called_computation_lowered:
.L_overlay_start_0:
0x88: {  	s2 =	sld [smem:$0x3FD9]  }
0x89: {  	s3 =	sld [smem:$0x3FFE];
	_ =	sdelay $0x1  }
0x8a: {  	s1 =	srdreg.scid  }
0x8b: {  	s0 =	sand.u32 $0x1, s1  }
0x8c: {  	s17 =	sshll.u32 s0, $0xA;
	s2 =	sadd.s32 s3, s2  }
0x8d: {  	s2 =	sadd.s32 s2, s17  }
0x8e: {  	[smem:$0x3FC4] =	sst s2  }
0x8f: {  	_ = 	snop  }
0x90: {  	s2 =	sld [smem:$0x3FC8]  }
0x91: {  	s18 =	sld [smem:$0x3FD0];
	(tm) =	ssettm $0x1  }
0x92: {  	s4 =	sld [smem:$0x3FFB];
	_ =	sdelay $0x3  }
0x93: {  	_ =	strace s4  }
0x94: {  	s4 =	sld [smem:$0x3FFC];
	_ =	sdelay $0x3  }
0x95: {  	_ =	strace s4  }
0x96: {  	s4 =	sld [smem:$0x3FFD];
	_ =	sdelay $0x3  }
0x97: {  	_ =	strace s4  }
0x98: {  	_ =	strace $0x8FFFFFFF  }
0x99: {  	s19 =	sld [smem:$0x3FDB];
	_ =	sdelay $0x1  }
0x9a: {  	s5 =	simm.s32 $_scs_section_size  }
0x9b: {  	s6 =	simm.s32 $_size__tile_overlayer_lowered;
	s7 =	simm.s32 $_tile_overlayer_lowered  }
0x9c: {  	s22 =	simm.s32 $0x1BFF;
	s21 =	sshll.u32 s7, $0x1;
	s4 =	sadd.s32 s5, s19  }
0x9d: {  	s8 =	simm.s32 $0x0;
	s20 =	sshll.u32 s6, $0x1;
	s6 =	sadd.s32 s21, s4  }
0x9e: {  	[timem:s8], [sflag:s22] =	dma.local [hbm:s6], s20  }
0x9f: {  	_ =	swait.ge [sflag:s22], s20  }
0xa0: {  	s5 =	ssub.s32 $0x0, s20;
	[sflag:s22] =	ssyncset.done $0x0  }
0xa1: {  	[sflag:s22] =	ssyncadd.s32 s5;
	_ =	sdelay $0x1  }
0xa2: {  	s23 =	simm.s32 $0x1B8B  }
0xa3: {  	_ =	swait.ge [sflag:s23], $0x1  }
0xa4: {  	[sflag:s23] =	ssyncset.done $0x0  }
0xa5: {  	s25 =	simm.s32 $0x1B8E;
	s24 =	sld [smem:$0x3FFE];
	[sflag:s23] =	ssyncadd.s32 $0xFFFFFFFF  }
0xa6: {  	s26 =	simm.s32 $execute0_lowered;
	[smem:$0x3FD2] =	sst s25  }
0xa7: {  	s6 =	sshll.u32 s26, $0x1;
	_ =	strace $0x80000046;
	[dreg:$0x1] =	wrdreg $0xFFFFFFFF  }
0xa8: {  	s28 =	simm.s32 $_size_execute0_lowered;
	s4 =	sadd.s32 s4, s6;
	[dreg:$0x0] =	wrdreg $0x0  }
0xa9: {  	s6 =	sshll.u32 s28, $0x1;
	[dreg:$0x2] =	wrdreg s4  }
0xaa: {  	[dreg:$0x3] =	wrdreg s6  }
0xab: {  	[dreg:$0x4] =	wrdreg $0xC0  }
0xac: {  	_ =	task [dreg:s8], $0x5FFFF  }
0xad: {  	[dreg:$0x1] =	wrdreg $0xFFFFFFFF  }
0xae: {  	[dreg:$0x0] =	wrdreg $0x60  }
0xaf: {  	[dreg:$0x2] =	wrdreg s24  }
0xb0: {  	[dreg:$0x3] =	wrdreg s2  }
0xb1: {  	[dreg:$0x4] =	wrdreg s18  }
0xb2: {  	[dreg:$0x5] =	wrdreg $0x9  }
0xb3: {  	_ =	task.clear_ibuf [dreg:s8], $0x6FFFF;
	_ =	strace $0x90000046  }
0xb4: {  	s29 =	simm.s32 $0x9;
	_ =	strace $0x80000048  }
0xb5: {  	_ =	swait.ge [sflag:s29], $0x1  }
0xb6: {  	[sflag:s29] =	ssyncadd.s32 $0xFFFFFFFF  }
0xb7: {  	_ =	strace $0x90000048  }
0xb8: {  	_ =	sfence  }
0xb9: {  	s30 =	sld [smem:$0x0];
	_ =	sdelay $0x2  }
0xba: {  	s31 =	sshll.u32 s1, $0xD;
	s1 =	sshrl.u32 s1, $0x2  }
0xbb: {  	s3 =	sand.u32 $0x4000, s31;
	s1 =	sadd.s32 s1, s30  }
0xbc: {  	s0 =	sor.u32 s3, s0;
	s1 =	sshll.u32 s1, $0x11  }
0xbd: {  	s0 =	sor.u32 s1, s0  }
0xbe: {  	s0 =	sadd.s32 $0x8F2B, s0  }
0xbf: {  	[sflag:s0] =	ssyncadd.remote.s32 $0x1  }
0xc0: {  	_ =	sfence.sel $0xFFFF  }
0xc1: {  	[dreg:$0x0] =	wrdreg $0xFFFFFFFF;
	(pc) =	sbr.abs _section_cstart, $3  }
0xc2: {  	[dreg:$0x1] =	wrdreg $0xFFFFFFFF  }
0xc3: {  	_ =	task.clear_ibuf [dreg:s8], $0x2FFFF;
	_ =	strace $0x9FFFFFFF  }
0xc4: {  	(tm) =	ssettm $0x7FFFFFFF  }
0xc5: {  	_ =	shalt  }
tec
execute0_lowered:
.L_overlay_start_1:
0x0: {  	(tag) =	ssettag $0x1  }
0x1: {  	s0 =	rddreg [dreg:$0x0]  }
0x2: {  	s1 =	rddreg [dreg:$0x1]  }
0x3: {  	s7 =	rddreg [dreg:$0x2];
	s3 =	srdreg.scid  }
0x4: {  	s4 =	stileid.u32;
	s2 =	simm.s32 $0x0;
	s13 =	simm.s32 $0x1  }
0x5: {  	s14 =	simm.s32 $0x80;
	s15 =	simm.s32 $0x100;
	s19 =	simm.s32 $0xE200  }
0x6: {  	s20 =	simm.s32 $0xA200;
	s21 =	simm.s32 $0xB200;
	s22 =	simm.s32 $0xC200  }
0x7: {  	s23 =	simm.s32 $0xD200;
	s24 =	simm.s32 $0x400;
	s25 =	simm.s32 $0x0  }
0x8: {  	s5 =	sand.u32 $0x1, s3;
	s26 =	sshll.u32 s4, $0x1;
	[smem:$0x7FF] =	sst s2  }
0x9: {  	s8 =	sshll.u32 s4, $0xA;
	s3 =	sadd.s32 $0x2400, s0;
	s6 =	sor.u32 s5, s26  }
0xa: {  	s4 =	sadd.s32 $0x3400, s0;
	_ =	strace $0x80000047;
	s9 =	sshll.u32 s6, $0x4  }
0xb: {  	s28 =	ssub.s32 $0x2, s5;
	s29 =	sshll.u32 s6, $0xA;
	s8 =	sor.u32 s8, s9  }
0xc: {  	s30 =	sshrl.u32 s28, $0x1;
	s5 =	sadd.s32 s1, s29;
	s8 =	sand.u32 $0x3070, s8  }
0xd: {  	s31 =	ssub.s32 s28, s30;
	s6 =	sadd.s32 $0x10, s5;
	s0 =	sadd.s32 s8, s0  }
0xe: {  	s12 =	smax.u32 s31, $0x1;
	s7 =	sadd.s32 s7, s8;
	s8 =	sadd.s32 $0x3600, s0  }
0xf: {  	v0 =	vimm.f32 $0.0e+00;
	s9 =	sadd.s32 $0x7600, s0;
	s10 =	sadd.s32 $0xB600, s0;
	s11 =	sadd.s32 $0xF600, s0  }
.LBB2_1:
0x10: {  	[tilespmem:s2], [sflag:$0x1] =	stream.linear.gather [hbm4b:s3+s2], $0x8000, $0x38;
	[tilespmem:$0xF200] =	vst v63  }
0x11: {  	_ =	swait.ge [sflag:s13], $0x8000  }
0x12: {  	[sflag:s13] =	ssyncset.done $0x0  }
0x13: {  	s0 =	simm.s32 $0x8000;
	[sflag:s13] =	ssyncadd.s32 $0xFFFF8000  }
0x14: {  	[tilespmem:s0], [sflag:$0x1] =	stream.strided.gather [hbm4b:s5+s14], $0x1000, s15, s14, $0x38;
	[tilespmem:$0xF200] =	vst v63  }
0x15: {  	_ =	swait.ge [sflag:s13], $0x1000  }
0x16: {  	[sflag:s13] =	ssyncset.done $0x0  }
0x17: {  	s18 =	simm.s32 $0x9000;
	[sflag:s13] =	ssyncadd.s32 $0xFFFFF000  }
0x18: {  	[tilespmem:s18], [sflag:$0x1] =	stream.strided.gather [hbm4b:s6+s14], $0x1000, s15, s14, $0x38;
	[tilespmem:$0xF200] =	vst v63  }
0x19: {  	_ =	swait.ge [sflag:s13], $0x1000  }
0x1a: {  	[sflag:s13] =	ssyncset.done $0x0  }
0x1b: {  	s26 =	simm.s32 $0xA000;
	[sflag:s13] =	ssyncadd.s32 $0xFFFFF000  }
0x1c: {  	[tilespmem:s26], [sflag:$0x1] =	stream.linear.gather [hbm4b:s4+s2], $0x200, $0x38;
	[tilespmem:$0xF200] =	vst v63  }
0x1d: {  	_ =	swait.ge [sflag:s13], $0x200  }
0x1e: {  	[sflag:s13] =	ssyncset.done $0x0  }
0x1f: {  	s30 =	simm.s32 $0xA240;
	[sflag:s13] =	ssyncadd.s32 $0xFFFFFE00  }
0x20: {  	[tilespmem:s30+$0x10] =	vst v0  }
0x21: {  	[tilespmem:s30+$0xFFFFFFF0] =	vst v0  }
0x22: {  	[tilespmem:s30+$0x0] =	vst v0  }
0x23: {  	[tilespmem:s30+$0x20] =	vst v0  }
0x24: {  	[tilespmem:s30+$0x30] =	vst v0  }
0x25: {  	[tilespmem:s30+$0xFFFFFFC0] =	vst v0  }
0x26: {  	[tilespmem:s30+$0xFFFFFFE0] =	vst v0  }
0x27: {  	s31 =	simm.s32 $0xB240;
	[tilespmem:s30+$0xFFFFFFD0] =	vst v0  }
0x28: {  	[tilespmem:s31+$0x30] =	vst v0  }
0x29: {  	[tilespmem:s31+$0xFFFFFFC0] =	vst v0  }
0x2a: {  	[tilespmem:s31+$0xFFFFFFD0] =	vst v0  }
0x2b: {  	[tilespmem:s31+$0x20] =	vst v0  }
0x2c: {  	[tilespmem:s31+$0x0] =	vst v0  }
0x2d: {  	s29 =	simm.s32 $0xC240;
	[tilespmem:s31+$0xFFFFFFF0] =	vst v0  }
0x2e: {  	[tilespmem:s29+$0x30] =	vst v0  }
0x2f: {  	[tilespmem:s29+$0xFFFFFFC0] =	vst v0  }
0x30: {  	[tilespmem:s29+$0xFFFFFFD0] =	vst v0  }
0x31: {  	[tilespmem:s29+$0x20] =	vst v0  }
0x32: {  	s28 =	simm.s32 $0xD240;
	[tilespmem:s29+$0x0] =	vst v0  }
0x33: {  	[tilespmem:s28+$0x30] =	vst v0  }
0x34: {  	[tilespmem:s28+$0xFFFFFFC0] =	vst v0  }
0x35: {  	[tilespmem:s28+$0xFFFFFFD0] =	vst v0  }
0x36: {  	[tilespmem:s28+$0x20] =	vst v0  }
0x37: {  	s26 =	simm.s32 $0xE240;
	[tilespmem:s28+$0x0] =	vst v0  }
0x38: {  	s16 =	simm.s32 $0xC2C0;
	s17 =	simm.s32 $0xD2C0;
	[tilespmem:s26+$0x30] =	vst v0  }
0x39: {  	s1 =	simm.s32 $0xB240;
	s0 =	simm.s32 $0x0;
	s18 =	simm.s32 $0xE2C0;
	[tilespmem:s26+$0xFFFFFFC0] =	vst v0  }
.LBB2_2:
0x3a: {  	s0 =	sadd.s32 $0x8, s0;
	[tilespmem:s26+$0x20] =	vst v0;
	s30 =	sadd.s32 $0x80, s30;
	s31 =	sadd.s32 $0x80, s31  }
0x3b: {  	p0 =	slt.u32 s0, $0xF8;
	[tilespmem:s1+$0xFFFFFFE0] =	vst v0  }
0x3c: {  	[tilespmem:s26+$0x0] =	vst v0  }
0x3d: {  	[tilespmem:s26+$0xFFFFFFD0] =	vst v0  }
0x3e: {  	[tilespmem:s1+$0x10] =	vst v0;
	s1 =	smov.u32 s31  }
0x3f: {  	[tilespmem:s29+$0xFFFFFFE0] =	vst v0  }
0x40: {  	[tilespmem:s29+$0xFFFFFFF0] =	vst v0  }
0x41: {  	[tilespmem:s29+$0x10] =	vst v0;
	s29 =	smov.u32 s16  }
0x42: {  	[tilespmem:s28+$0xFFFFFFE0] =	vst v0  }
0x43: {  	[tilespmem:s26+$0xFFFFFFE0] =	vst v0  }
0x44: {  	[tilespmem:s28+$0xFFFFFFF0] =	vst v0  }
0x45: {  	[tilespmem:s28+$0x10] =	vst v0;
	s28 =	smov.u32 s17  }
0x46: {  	[tilespmem:s26+$0x10] =	vst v0  }
0x47: {  	[tilespmem:s26+$0xFFFFFFF0] =	vst v0;
	s26 =	smov.u32 s18  }
0x48: {  	[tilespmem:s30+$0x10] =	vst v0  }
0x49: {  	[tilespmem:s30+$0xFFFFFFF0] =	vst v0  }
0x4a: {  	[tilespmem:s30+$0x0] =	vst v0  }
0x4b: {  	[tilespmem:s30+$0x20] =	vst v0  }
0x4c: {  	[tilespmem:s30+$0x30] =	vst v0  }
0x4d: {  	[tilespmem:s31+$0x30] =	vst v0  }
0x4e: {  	[tilespmem:s16+$0x30] =	vst v0  }
0x4f: {  	[tilespmem:s17+$0x30] =	vst v0  }
0x50: {  	[tilespmem:s18+$0x30] =	vst v0  }
0x51: {  	[tilespmem:s30+$0xFFFFFFC0] =	vst v0  }
0x52: {  	[tilespmem:s31+$0xFFFFFFC0] =	vst v0  }
0x53: {  	[tilespmem:s16+$0xFFFFFFC0] =	vst v0  }
0x54: {  	[tilespmem:s17+$0xFFFFFFC0] =	vst v0  }
0x55: {  	[tilespmem:s18+$0xFFFFFFC0] =	vst v0  }
0x56: {  	[tilespmem:s30+$0xFFFFFFE0] =	vst v0  }
0x57: {  	[tilespmem:s30+$0xFFFFFFD0] =	vst v0  }
0x58: {  	[tilespmem:s31+$0xFFFFFFD0] =	vst v0  }
0x59: {  	[tilespmem:s16+$0xFFFFFFD0] =	vst v0  }
0x5a: {  	[tilespmem:s17+$0xFFFFFFD0] =	vst v0  }
0x5b: {  	[tilespmem:s31+$0x20] =	vst v0  }
0x5c: {  	[tilespmem:s16+$0x20] =	vst v0  }
.Ltmp0:
0x5d: {  	[tilespmem:s31+$0x0] =	vst v0;
	(pc) =	sbr.rel @p0 .LBB2_2-.Ltmp0, $4  }
0x5e: {  	[tilespmem:s17+$0x20] =	vst v0  }
0x5f: {  	[tilespmem:s16+$0x0] =	vst v0  }
0x60: {  	[tilespmem:s31+$0xFFFFFFF0] =	vst v0  }
0x61: {  	s18 =	sadd.s32 $0x80, s18;
	s17 =	sadd.s32 $0x80, s17;
	s16 =	sadd.s32 $0x80, s16;
	[tilespmem:s28+$0x0] =	vst v0  }
0x62: {  	[tilespmem:s26+$0x20] =	vst v0  }
0x63: {  	[tilespmem:s1+$0xFFFFFFE0] =	vst v0  }
0x64: {  	[tilespmem:s26+$0x0] =	vst v0  }
0x65: {  	[tilespmem:s26+$0xFFFFFFD0] =	vst v0  }
0x66: {  	[tilespmem:s1+$0x10] =	vst v0  }
0x67: {  	[tilespmem:s29+$0xFFFFFFF0] =	vst v0  }
0x68: {  	[tilespmem:s29+$0xFFFFFFE0] =	vst v0  }
0x69: {  	[tilespmem:s29+$0x10] =	vst v0  }
0x6a: {  	[tilespmem:s28+$0xFFFFFFF0] =	vst v0  }
0x6b: {  	[tilespmem:s28+$0xFFFFFFE0] =	vst v0  }
0x6c: {  	[tilespmem:s28+$0x10] =	vst v0  }
0x6d: {  	[tilespmem:s26+$0xFFFFFFF0] =	vst v0  }
0x6e: {  	[tilespmem:s26+$0xFFFFFFE0] =	vst v0  }
0x6f: {  	s0 =	simm.s32 $0x8020;
	[tilespmem:s26+$0x10] =	vst v0  }
0x70: {  	s16 =	simm.s32 $0x9020;
	v3 =	vld [tilespmem:s0+$0x10]  }
0x71: {  	v13 =	vld [tilespmem:s16+$0x10];
	_ =	sdelay $0x4  }
0x72: {  	v5 =	vld [tilespmem:$0xA000];
	v1 =	vand.u32 $0x7F, v3;
	v2 =	vshll.u32 v3, $0x3;
	v4 =	vshll.u32 v13, $0x3  }
0x73: {  	v8 =	vld [tilespmem:$0xA080];
	v6 =	vand.u32 $0x7F, v13;
	v7 =	vand.u32 $0xFFFFFC00, v2;
	v4 =	vand.u32 $0xFFFFFC00, v4  }
0x74: {  	v17 =	vld [tilespmem:s16+$0xFFFFFFE0];
	v25 =	vor.u32 v1, v7;
	v9 =	vor.u32 v6, v4  }
0x75: {  	v16 =	vld [tilespmem:s16+$0xFFFFFFF0];
	v4 =	vor.u32 $0x200, v9  }
0x76: {  	vm0 =	veq.s32 v3, v13;
	v2 =	vld [tilespmem:$0xA100]  }
0x77: {  	v3 =	vsel vm0, $0x3F800000, v0;
	v1 =	vld [tilespmem:$0xA180]  }
0x78: {  	[tilespmem:v13+s19+$0x0] =	vst.idx.add.f32.msk $0xffff, v3  }
0x79: {  	v6 =	vld.idx.msk [tilespmem:v25+s2+$0x0], $0xffff  }
0x7a: {  	v4 =	vld.idx.msk [tilespmem:v4+s2+$0x0], $0xffff  }
0x7b: {  	v62 =	vld [tilespmem:s16+$0x0];
	_ =	sdelay $0x1  }
0x7c: {  	v15 =	vld [tilespmem:s0+$0x0];
	_ =	sdelay $0x1  }
0x7d: {  	v12 =	vld [tilespmem:s0+$0xFFFFFFE0];
	v4 =	vadd.f32 v4, v6  }
0x7e: {  	v10 =	vshll.u32 v16, $0x3;
	v11 =	vshll.u32 v62, $0x3;
	v18 =	vand.u32 $0x7F, v17  }
0x7f: {  	v20 =	vand.u32 $0x7F, v16;
	v14 =	vand.u32 $0xFFFFFC00, v10;
	v10 =	vmul.f32 $2.000000030e-01, v4  }
0x80: {  	v22 =	vand.u32 $0x7F, v62;
	vm1 =	veq.s32 v15, v62;
	v6 =	vshll.u32 v17, $0x3  }
0x81: {  	v19 =	vand.u32 $0xFFFFFC00, v11;
	v6 =	vand.u32 $0xFFFFFC00, v6;
	v4 =	vmax.f32 v4, v10  }
0x82: {  	v7 =	vld [tilespmem:s0+$0xFFFFFFF0];
	v11 =	vor.u32 v18, v6;
	v6 =	vshll.u32 v12, $0x3;
	v4 =	vsub.f32 v4, v5  }
0x83: {  	v6 =	vand.u32 $0xFFFFFC00, v6;
	v18 =	vor.u32 $0x200, v11;
	v10 =	vand.u32 $0x7F, v12  }
0x84: {  	v24 =	vor.u32 v20, v14;
	v10 =	vor.u32 v10, v6;
	v4 =	vmul.f32 $1.442695020e+00, v4  }
0x85: {  	vm2 =	veq.s32 v12, v17;
	v14 =	vor.u32 v22, v19;
	v19 =	vor.u32 $0x200, v24  }
0x86: {  	v20 =	vor.u32 $0x200, v14;
	v12 =	vsel vm2, $0x3F800000, v0;
	(erf) = vpow2.f32 v4  }
0x87: {  	v21 =	vshll.u32 v7, $0x3;
	vm15 =	veq.s32 v7, v16;
	v7 =	vand.u32 $0x7F, v7;
	[tilespmem:v17+s19+$0x0] =	vst.idx.add.f32.msk $0xffff, v12  }
0x88: {  	v6 =	vshll.u32 v15, $0x3;
	v15 =	vand.u32 $0x7F, v15;
	v18 =	vld.idx.msk [tilespmem:v18+s2+$0x0], $0xffff;
	v4 =	vand.u32 $0xFFFFFC00, v21  }
0x89: {  	v6 =	vand.u32 $0xFFFFFC00, v6;
	v21 =	vsel vm15, $0x3F800000, v0;
	v12 =	vor.u32 v7, v4;
	v4 =	vld.idx.msk [tilespmem:v10+s2+$0x0], $0xffff  }
0x8a: {  	v15 =	vor.u32 v15, v6;
	v7 =	vsel vm1, $0x3F800000, v0;
	[tilespmem:v16+s19+$0x0] =	vst.idx.add.f32.msk $0xffff, v21  }
0x8b: {  	[tilespmem:v62+s19+$0x0] =	vst.idx.add.f32.msk $0xffff, v7  }
0x8c: {  	v6 =	vld.idx.msk [tilespmem:v19+s2+$0x0], $0xffff;
	v7 =	vor.u32 $0x80, v25  }
0x8d: {  	v19 =	vld.idx.msk [tilespmem:v20+s2+$0x0], $0xffff;
	v20 =	vor.u32 $0x280, v9  }
0x8e: {  	v21 =	vld.idx.msk [tilespmem:v12+s2+$0x0], $0xffff;
	v4 =	vadd.f32 v18, v4  }
0x8f: {  	v18 =	vld.idx.msk [tilespmem:v15+s2+$0x0], $0xffff;
	v22 =	vpop (erf)  }
0x90: {  	v23 =	vmul.f32 $2.000000030e-01, v4;
	[tilespmem:v13+s20+$0x0] =	vst.idx.add.f32.msk $0xffff, v22  }
0x91: {  	v7 =	vld.idx.msk [tilespmem:v7+s2+$0x0], $0xffff  }
0x92: {  	v4 =	vmax.f32 v4, v23;
	v20 =	vld.idx.msk [tilespmem:v20+s2+$0x0], $0xffff  }
0x93: {  	v4 =	vsub.f32 v4, v5;
	_ =	sdelay $0x1  }
0x94: {  	v6 =	vadd.f32 v6, v21;
	v4 =	vmul.f32 $1.442695020e+00, v4  }
0x95: {  	v18 =	vadd.f32 v19, v18  }
0x96: {  	v19 =	vmul.f32 $2.000000030e-01, v6;
	(erf) = vpow2.f32 v4;
	v4 =	vadd.f32 v20, v7  }
0x97: {  	v7 =	vmul.f32 $2.000000030e-01, v18  }
0x98: {  	v6 =	vmax.f32 v6, v19;
	v19 =	vmul.f32 $2.000000030e-01, v4  }
0x99: {  	v6 =	vsub.f32 v6, v5;
	v7 =	vmax.f32 v18, v7  }
0x9a: {  	v7 =	vsub.f32 v7, v5;
	v4 =	vmax.f32 v4, v19  }
0x9b: {  	v6 =	vmul.f32 $1.442695020e+00, v6;
	v4 =	vsub.f32 v4, v8  }
0x9c: {  	v7 =	vmul.f32 $1.442695020e+00, v7  }
0x9d: {  	(erf) = vpow2.f32 v6;
	v4 =	vmul.f32 $1.442695020e+00, v4  }
0x9e: {  	(erf) = vpow2.f32 v7  }
0x9f: {  	s18 =	simm.s32 $0x9060;
	(erf) = vpow2.f32 v4  }
0xa0: {  	s17 =	simm.s32 $0x8060;
	v63 =	vld [tilespmem:s18+$0x0]  }
0xa1: {  	v28 =	vld [tilespmem:s17+$0xFFFFFFF0]  }
0xa2: {  	v23 =	vld [tilespmem:s18+$0x10]  }
0xa3: {  	v19 =	vld [tilespmem:s17+$0x10]  }
0xa4: {  	v54 =	vld [tilespmem:s17+$0x0]  }
0xa5: {  	v36 =	vld [tilespmem:s17+$0xFFFFFFE0];
	v18 =	vor.u32 $0x80, v10;
	v7 =	vpop (erf)  }
0xa6: {  	v3 =	vld [tilespmem:s18+$0xFFFFFFF0];
	v21 =	vor.u32 $0x100, v25;
	v22 =	vpop (erf)  }
0xa7: {  	v26 =	vor.u32 $0x300, v9;
	v32 =	vshll.u32 v23, $0x3;
	v4 =	vld [tilespmem:s18+$0xFFFFFFE0];
	v27 =	vpop (erf)  }
0xa8: {  	v32 =	vand.u32 $0xFFFFFC00, v32;
	v6 =	vor.u32 $0x280, v11;
	v31 =	vshll.u32 v19, $0x3;
	[tilespmem:v17+s20+$0x0] =	vst.idx.add.f32.msk $0xffff, v7;
	v29 =	vpop (erf)  }
0xa9: {  	v30 =	vand.u32 $0x7F, v19;
	v31 =	vand.u32 $0xFFFFFC00, v31;
	[tilespmem:v13+s21+$0x0] =	vst.idx.add.f32.msk $0xffff, v29;
	v29 =	vand.u32 $0x7F, v23  }
0xaa: {  	v18 =	vld.idx.msk [tilespmem:v18+s2+$0x0], $0xffff;
	v33 =	vor.u32 v30, v31;
	v31 =	vor.u32 v29, v32  }
0xab: {  	v42 =	vshll.u32 v28, $0x3;
	v21 =	vld.idx.msk [tilespmem:v21+s2+$0x0], $0xffff;
	v29 =	vor.u32 $0x200, v31  }
0xac: {  	v43 =	vand.u32 $0x7F, v63;
	vm6 =	veq.s32 v54, v63;
	vm4 =	veq.s32 v19, v23;
	v26 =	vld.idx.msk [tilespmem:v26+s2+$0x0], $0xffff  }
0xad: {  	v61 =	vsel vm6, $0x3F800000, v0;
	v34 =	vor.u32 $0x280, v24;
	v19 =	vsel vm4, $0x3F800000, v0;
	v20 =	vld.idx.msk [tilespmem:v6+s2+$0x0], $0xffff  }
0xae: {  	v37 =	vor.u32 $0x280, v14;
	v41 =	vand.u32 $0x7F, v3;
	vm5 =	veq.s32 v28, v3;
	[tilespmem:v23+s19+$0x0] =	vst.idx.add.f32.msk $0xffff, v19  }
0xaf: {  	v59 =	vsel vm5, $0x3F800000, v0;
	v35 =	vor.u32 $0x80, v15;
	v19 =	vshll.u32 v3, $0x3;
	v39 =	vld.idx.msk [tilespmem:v33+s2+$0x0], $0xffff  }
0xb0: {  	v30 =	vor.u32 $0x80, v12;
	v40 =	vand.u32 $0xFFFFFC00, v19;
	v19 =	vand.u32 $0x7F, v4;
	v29 =	vld.idx.msk [tilespmem:v29+s2+$0x0], $0xffff  }
0xb1: {  	[tilespmem:v16+s20+$0x0] =	vst.idx.add.f32.msk $0xffff, v22;
	vm7 =	veq.s32 v36, v4;
	v22 =	vshll.u32 v36, $0x3;
	v21 =	vadd.f32 v26, v21  }
0xb2: {  	v36 =	vand.u32 $0x7F, v36;
	v22 =	vand.u32 $0xFFFFFC00, v22;
	v56 =	vsel vm7, $0x3F800000, v0  }
0xb3: {  	v38 =	vadd.f32 v20, v18;
	v18 =	vshll.u32 v4, $0x3;
	v55 =	vmul.f32 $2.000000030e-01, v21  }
0xb4: {  	[tilespmem:v63+s19+$0x0] =	vst.idx.add.f32.msk $0xffff, v61;
	v20 =	vshll.u32 v63, $0x3;
	v22 =	vor.u32 v36, v22;
	v18 =	vand.u32 $0xFFFFFC00, v18  }
0xb5: {  	v20 =	vand.u32 $0xFFFFFC00, v20;
	[tilespmem:v62+s20+$0x0] =	vst.idx.add.f32.msk $0xffff, v27;
	v21 =	vmax.f32 v21, v55;
	v27 =	vadd.f32 v29, v39  }
0xb6: {  	v34 =	vld.idx.msk [tilespmem:v34+s2+$0x0], $0xffff;
	v19 =	vor.u32 v19, v18;
	v18 =	vor.u32 v41, v40;
	v21 =	vsub.f32 v21, v2  }
0xb7: {  	v20 =	vor.u32 v43, v20;
	v57 =	vor.u32 $0x200, v19;
	v29 =	vld.idx.msk [tilespmem:v30+s2+$0x0], $0xffff;
	v39 =	vmul.f32 $2.000000030e-01, v27  }
0xb8: {  	[tilespmem:v3+s19+$0x0] =	vst.idx.add.f32.msk $0xffff, v59;
	v58 =	vor.u32 $0x200, v18;
	v26 =	vshll.u32 v54, $0x3;
	v21 =	vmul.f32 $1.442695020e+00, v21  }
0xb9: {  	v35 =	vld.idx.msk [tilespmem:v35+s2+$0x0], $0xffff;
	v60 =	vor.u32 $0x200, v20;
	v26 =	vand.u32 $0xFFFFFC00, v26;
	v27 =	vmax.f32 v27, v39  }
0xba: {  	v37 =	vld.idx.msk [tilespmem:v37+s2+$0x0], $0xffff;
	(erf) = vpow2.f32 v21;
	v21 =	vand.u32 $0x7F, v54;
	v27 =	vsub.f32 v27, v5  }
0xbb: {  	v28 =	vand.u32 $0x7F, v28;
	[tilespmem:v4+s19+$0x0] =	vst.idx.add.f32.msk $0xffff, v56;
	v30 =	vand.u32 $0xFFFFFC00, v42;
	v21 =	vor.u32 v21, v26  }
0xbc: {  	v36 =	vld.idx.msk [tilespmem:v22+s2+$0x0], $0xffff;
	v28 =	vor.u32 v28, v30;
	v29 =	vadd.f32 v34, v29;
	v27 =	vmul.f32 $1.442695020e+00, v27  }
0xbd: {  	v41 =	vmul.f32 $2.000000030e-01, v38;
	v30 =	vld.idx.msk [tilespmem:v58+s2+$0x0], $0xffff  }
0xbe: {  	v26 =	vld.idx.msk [tilespmem:v57+s2+$0x0], $0xffff;
	v43 =	vmul.f32 $2.000000030e-01, v29;
	(erf) = vpow2.f32 v27  }
0xbf: {  	v32 =	vmax.f32 v38, v41;
	v42 =	vadd.f32 v37, v35;
	v27 =	vld.idx.msk [tilespmem:v60+s2+$0x0], $0xffff  }
0xc0: {  	v32 =	vsub.f32 v32, v8;
	v29 =	vmax.f32 v29, v43;
	v45 =	vld.idx.msk [tilespmem:v21+s2+$0x0], $0xffff  }
0xc1: {  	v25 =	vor.u32 $0x180, v25;
	v37 =	vmul.f32 $2.000000030e-01, v42;
	v44 =	vld.idx.msk [tilespmem:v28+s2+$0x0], $0xffff;
	v29 =	vsub.f32 v29, v8  }
0xc2: {  	v9 =	vor.u32 $0x380, v9;
	v47 =	vor.u32 $0x80, v33;
	v32 =	vmul.f32 $1.442695020e+00, v32  }
0xc3: {  	v34 =	vmax.f32 v42, v37;
	v26 =	vadd.f32 v26, v36;
	v29 =	vmul.f32 $1.442695020e+00, v29  }
0xc4: {  	v48 =	vor.u32 $0x280, v31;
	v34 =	vsub.f32 v34, v8;
	(erf) = vpow2.f32 v32;
	v46 =	vpop (erf)  }
0xc5: {  	[tilespmem:v13+s22+$0x0] =	vst.idx.add.f32.msk $0xffff, v46;
	(erf) = vpow2.f32 v29;
	v29 =	vmul.f32 $2.000000030e-01, v26;
	v27 =	vadd.f32 v27, v45  }
0xc6: {  	v30 =	vadd.f32 v30, v44;
	v25 =	vld.idx.msk [tilespmem:v25+s2+$0x0], $0xffff  }
0xc7: {  	v34 =	vmul.f32 $1.442695020e+00, v34;
	v9 =	vld.idx.msk [tilespmem:v9+s2+$0x0], $0xffff;
	v26 =	vmax.f32 v26, v29;
	v29 =	vmul.f32 $2.000000030e-01, v27;
	v49 =	vpop (erf)  }
0xc8: {  	v50 =	vmul.f32 $2.000000030e-01, v30;
	[tilespmem:v23+s20+$0x0] =	vst.idx.add.f32.msk $0xffff, v49  }
0xc9: {  	(erf) = vpow2.f32 v34;
	v27 =	vmax.f32 v27, v29;
	v51 =	vld.idx.msk [tilespmem:v47+s2+$0x0], $0xffff  }
0xca: {  	v30 =	vmax.f32 v30, v50;
	v26 =	vsub.f32 v26, v5;
	v27 =	vsub.f32 v27, v5;
	v32 =	vld.idx.msk [tilespmem:v48+s2+$0x0], $0xffff  }
0xcb: {  	v30 =	vsub.f32 v30, v5  }
0xcc: {  	v26 =	vmul.f32 $1.442695020e+00, v26;
	v9 =	vadd.f32 v9, v25  }
0xcd: {  	s30 =	simm.s32 $0x90A0;
	v29 =	vor.u32 $0x100, v10;
	v30 =	vmul.f32 $1.442695020e+00, v30;
	v25 =	vmul.f32 $1.442695020e+00, v27  }
0xce: {  	v7 =	vld [tilespmem:s30+$0xFFFFFFE0];
	v54 =	vmul.f32 $2.000000030e-01, v9;
	v27 =	vpop (erf);
	(erf) = vpow2.f32 v26  }
0xcf: {  	v52 =	vor.u32 $0x300, v11;
	[tilespmem:v17+s21+$0x0] =	vst.idx.add.f32.msk $0xffff, v27;
	v27 =	vpop (erf);
	(erf) = vpow2.f32 v30;
	v30 =	vadd.f32 v32, v51  }
0xd0: {  	v53 =	vor.u32 $0x300, v24;
	v6 =	vld [tilespmem:s30+$0x10];
	v9 =	vmax.f32 v9, v54  }
0xd1: {  	[tilespmem:v16+s21+$0x0] =	vst.idx.add.f32.msk $0xffff, v27;
	(erf) = vpow2.f32 v25;
	v25 =	vor.u32 $0x100, v15;
	v55 =	vmul.f32 $2.000000030e-01, v30  }
0xd2: {  	v26 =	vor.u32 $0x100, v12;
	v9 =	vsub.f32 v9, v1;
	v27 =	vld.idx.msk [tilespmem:v29+s2+$0x0], $0xffff;
	v29 =	vpop (erf)  }
0xd3: {  	[tilespmem:v62+s21+$0x0] =	vst.idx.add.f32.msk $0xffff, v29;
	v30 =	vmax.f32 v30, v55  }
0xd4: {  	v29 =	vld.idx.msk [tilespmem:v52+s2+$0x0], $0xffff;
	v9 =	vmul.f32 $1.442695020e+00, v9;
	v30 =	vsub.f32 v30, v8  }
0xd5: {  	v32 =	vld.idx.msk [tilespmem:v53+s2+$0x0], $0xffff  }
0xd6: {  	v36 =	vld.idx.msk [tilespmem:v25+s2+$0x0], $0xffff;
	v25 =	vmul.f32 $1.442695020e+00, v30  }
0xd7: {  	s26 =	simm.s32 $0x80A0;
	v56 =	vor.u32 $0x300, v14;
	v26 =	vld.idx.msk [tilespmem:v26+s2+$0x0], $0xffff;
	(erf) = vpow2.f32 v9  }
0xd8: {  	v42 =	vld [tilespmem:s26+$0xFFFFFFF0];
	v9 =	vpop (erf);
	(erf) = vpow2.f32 v25  }
0xd9: {  	v46 =	vld [tilespmem:s26+$0x0]  }
0xda: {  	v48 =	vld [tilespmem:s26+$0xFFFFFFE0];
	v30 =	vor.u32 $0x80, v22;
	v25 =	vadd.f32 v29, v27  }
0xdb: {  	v40 =	vor.u32 $0x180, v12;
	v41 =	vor.u32 $0x380, v24;
	v29 =	vld [tilespmem:s26+$0x10]  }
0xdc: {  	v61 =	vor.u32 $0x80, v28;
	v37 =	vld.idx.msk [tilespmem:v56+s2+$0x0], $0xffff;
	v26 =	vadd.f32 v32, v26;
	v27 =	vmul.f32 $2.000000030e-01, v25  }
0xdd: {  	v39 =	vor.u32 $0x380, v11;
	v57 =	vor.u32 $0x300, v31;
	v44 =	vshll.u32 v6, $0x3;
	[tilespmem:v4+s20+$0x0] =	vst.idx.add.f32.msk $0xffff, v9;
	v9 =	vpop (erf)  }
0xde: {  	v32 =	vor.u32 $0x180, v10;
	[tilespmem:v3+s20+$0x0] =	vst.idx.add.f32.msk $0xffff, v9;
	v10 =	vmax.f32 v25, v27;
	v25 =	vmul.f32 $2.000000030e-01, v26  }
0xdf: {  	v59 =	vand.u32 $0xFFFFFC00, v44;
	v9 =	vpop (erf);
	v38 =	vld.idx.msk [tilespmem:v30+s2+$0x0], $0xffff;
	v30 =	vor.u32 $0x100, v33;
	v27 =	vsub.f32 v10, v2  }
0xe0: {  	v45 =	vand.u32 $0x7F, v6;
	[tilespmem:v63+s20+$0x0] =	vst.idx.add.f32.msk $0xffff, v9;
	v35 =	vpop (erf);
	v58 =	vshll.u32 v29, $0x3;
	v24 =	vmax.f32 v26, v25  }
0xe1: {  	v9 =	vld [tilespmem:s30+$0x0];
	v25 =	vmul.f32 $1.442695020e+00, v27;
	v60 =	vsub.f32 v24, v2;
	v24 =	vor.u32 v45, v59;
	v26 =	vpop (erf)  }
0xe2: {  	v27 =	vand.u32 $0x7F, v29;
	v45 =	vor.u32 $0x200, v24;
	[tilespmem:v23+s21+$0x0] =	vst.idx.add.f32.msk $0xffff, v26;
	v26 =	vand.u32 $0xFFFFFC00, v58  }
0xe3: {  	v49 =	vor.u32 $0x280, v20;
	v47 =	vor.u32 $0x80, v21;
	v10 =	vld [tilespmem:s30+$0xFFFFFFF0];
	v26 =	vor.u32 v27, v26  }
0xe4: {  	vm11 =	veq.s32 v48, v7;
	v52 =	vand.u32 $0x7F, v7;
	vm8 =	veq.s32 v29, v6;
	v30 =	vld.idx.msk [tilespmem:v30+s2+$0x0], $0xffff  }
0xe5: {  	v55 =	vshll.u32 v42, $0x3;
	(erf) = vpow2.f32 v25;
	v25 =	vsel vm8, $0x3F800000, v0;
	v34 =	vld.idx.msk [tilespmem:v57+s2+$0x0], $0xffff  }
0xe6: {  	v50 =	vshll.u32 v9, $0x3;
	v56 =	vand.u32 $0x7F, v9;
	vm10 =	veq.s32 v46, v9;
	[tilespmem:v6+s19+$0x0] =	vst.idx.add.f32.msk $0xffff, v25  }
0xe7: {  	v29 =	vor.u32 $0x280, v18;
	v50 =	vand.u32 $0xFFFFFC00, v50;
	v27 =	vor.u32 $0x280, v19;
	v45 =	vld.idx.msk [tilespmem:v45+s2+$0x0], $0xffff  }
0xe8: {  	v59 =	vsel vm11, $0x3F800000, v0;
	v44 =	vmul.f32 $1.442695020e+00, v60;
	v60 =	vshll.u32 v7, $0x3;
	v51 =	vld.idx.msk [tilespmem:v26+s2+$0x0], $0xffff  }
0xe9: {  	v43 =	vld.idx.msk [tilespmem:v61+s2+$0x0], $0xffff;
	v25 =	vshll.u32 v10, $0x3;
	v54 =	vand.u32 $0x7F, v10;
	vm9 =	veq.s32 v42, v10  }
0xea: {  	v47 =	vld.idx.msk [tilespmem:v47+s2+$0x0], $0xffff;
	v42 =	vand.u32 $0x7F, v42;
	v58 =	vand.u32 $0x7F, v46;
	v34 =	vadd.f32 v34, v30  }
0xeb: {  	v49 =	vld.idx.msk [tilespmem:v49+s2+$0x0], $0xffff;
	(erf) = vpow2.f32 v44;
	v44 =	vand.u32 $0xFFFFFC00, v60;
	v25 =	vand.u32 $0xFFFFFC00, v25  }
0xec: {  	v25 =	vor.u32 v54, v25;
	v53 =	vld.idx.msk [tilespmem:v27+s2+$0x0], $0xffff;
	v27 =	vor.u32 v52, v44;
	v61 =	vmul.f32 $2.000000030e-01, v34  }
0xed: {  	v44 =	vshll.u32 v46, $0x3;
	v52 =	vld.idx.msk [tilespmem:v29+s2+$0x0], $0xffff;
	v29 =	vshll.u32 v48, $0x3;
	v45 =	vadd.f32 v45, v51  }
0xee: {  	[tilespmem:v7+s19+$0x0] =	vst.idx.add.f32.msk $0xffff, v59;
	v30 =	vor.u32 v56, v50;
	v50 =	vand.u32 $0xFFFFFC00, v55;
	v57 =	vpop (erf);
	v34 =	vmax.f32 v34, v61  }
0xef: {  	v56 =	vor.u32 $0x200, v27;
	[tilespmem:v17+s22+$0x0] =	vst.idx.add.f32.msk $0xffff, v57;
	v34 =	vsub.f32 v34, v2;
	v60 =	vmul.f32 $2.000000030e-01, v45  }
0xf0: {  	v48 =	vand.u32 $0x7F, v48;
	v57 =	vor.u32 $0x200, v25;
	v61 =	vsel vm10, $0x3F800000, v0;
	v39 =	vld.idx.msk [tilespmem:v39+s2+$0x0], $0xffff  }
0xf1: {  	v51 =	vsel vm9, $0x3F800000, v0;
	[tilespmem:v9+s19+$0x0] =	vst.idx.add.f32.msk $0xffff, v61;
	v59 =	vmul.f32 $1.442695020e+00, v34;
	v60 =	vmax.f32 v45, v60  }
0xf2: {  	v29 =	vand.u32 $0xFFFFFC00, v29;
	v61 =	vor.u32 $0x200, v30;
	[tilespmem:v10+s19+$0x0] =	vst.idx.add.f32.msk $0xffff, v51;
	v54 =	vsub.f32 v60, v5  }
0xf3: {  	v44 =	vand.u32 $0xFFFFFC00, v44;
	v34 =	vor.u32 v48, v29;
	v48 =	vld.idx.msk [tilespmem:v32+s2+$0x0], $0xffff;
	(erf) = vpow2.f32 v59  }
0xf4: {  	v29 =	vor.u32 v42, v50;
	v32 =	vor.u32 v58, v44;
	v44 =	vld.idx.msk [tilespmem:v56+s2+$0x0], $0xffff;
	v59 =	vmul.f32 $1.442695020e+00, v54  }
0xf5: {  	v38 =	vadd.f32 v53, v38;
	v51 =	vpop (erf);
	v53 =	vld.idx.msk [tilespmem:v57+s2+$0x0], $0xffff  }
0xf6: {  	v36 =	vadd.f32 v37, v36;
	v37 =	vadd.f32 v52, v43;
	[tilespmem:v16+s22+$0x0] =	vst.idx.add.f32.msk $0xffff, v51;
	(erf) = vpow2.f32 v59  }
0xf7: {  	v31 =	vor.u32 $0x380, v31;
	v33 =	vor.u32 $0x180, v33;
	v47 =	vadd.f32 v49, v47;
	v43 =	vld.idx.msk [tilespmem:v61+s2+$0x0], $0xffff  }
0xf8: {  	v46 =	vor.u32 $0x100, v22;
	v60 =	vmul.f32 $2.000000030e-01, v38;
	v61 =	vmul.f32 $2.000000030e-01, v37;
	v40 =	vld.idx.msk [tilespmem:v40+s2+$0x0], $0xffff  }
0xf9: {  	v50 =	vor.u32 $0x300, v19;
	v42 =	vor.u32 $0x300, v18;
	v58 =	vor.u32 $0x280, v24;
	v56 =	vld.idx.msk [tilespmem:v29+s2+$0x0], $0xffff  }
0xfa: {  	v51 =	vor.u32 $0x100, v28;
	v49 =	vld.idx.msk [tilespmem:v34+s2+$0x0], $0xffff;
	v54 =	vmul.f32 $2.000000030e-01, v36;
	v38 =	vmax.f32 v38, v60  }
0xfb: {  	v60 =	vmul.f32 $2.000000030e-01, v47;
	v57 =	vld.idx.msk [tilespmem:v32+s2+$0x0], $0xffff;
	v37 =	vmax.f32 v37, v61;
	v38 =	vsub.f32 v38, v8  }
0xfc: {  	v41 =	vld.idx.msk [tilespmem:v41+s2+$0x0], $0xffff;
	v37 =	vsub.f32 v37, v8;
	v36 =	vmax.f32 v36, v54;
	v54 =	vor.u32 $0x80, v26;
	v61 =	vpop (erf)  }
0xfd: {  	v45 =	vor.u32 $0x100, v21;
	v47 =	vmax.f32 v47, v60;
	v38 =	vmul.f32 $1.442695020e+00, v38;
	[tilespmem:v23+s22+$0x0] =	vst.idx.add.f32.msk $0xffff, v61  }
0xfe: {  	v47 =	vsub.f32 v47, v8;
	v37 =	vmul.f32 $1.442695020e+00, v37;
	v59 =	vadd.f32 v53, v56;
	v33 =	vld.idx.msk [tilespmem:v33+s2+$0x0], $0xffff  }
0xff: {  	v36 =	vsub.f32 v36, v2;
	v44 =	vadd.f32 v44, v49;
	(erf) = vpow2.f32 v38;
	v31 =	vld.idx.msk [tilespmem:v31+s2+$0x0], $0xffff;
	v60 =	vpop (erf)  }
0x100: {  	v43 =	vadd.f32 v43, v57;
	(erf) = vpow2.f32 v37;
	v53 =	vmul.f32 $2.000000030e-01, v59;
	[tilespmem:v6+s20+$0x0] =	vst.idx.add.f32.msk $0xffff, v60  }
0x101: {  	v40 =	vadd.f32 v41, v40;
	v47 =	vmul.f32 $1.442695020e+00, v47;
	v61 =	vmul.f32 $2.000000030e-01, v44;
	v54 =	vld.idx.msk [tilespmem:v54+s2+$0x0], $0xffff  }
0x102: {  	v56 =	vmul.f32 $2.000000030e-01, v43;
	v59 =	vmax.f32 v59, v53;
	v53 =	vadd.f32 v39, v48;
	v57 =	vld.idx.msk [tilespmem:v58+s2+$0x0], $0xffff  }
0x103: {  	v36 =	vmul.f32 $1.442695020e+00, v36;
	(erf) = vpow2.f32 v47;
	v37 =	vmax.f32 v44, v61  }
0x104: {  	v60 =	vmax.f32 v43, v56;
	v56 =	vmul.f32 $2.000000030e-01, v53;
	v31 =	vadd.f32 v31, v33  }
0x105: {  	(erf) = vpow2.f32 v36;
	v58 =	vsub.f32 v37, v5;
	v37 =	vsub.f32 v59, v5  }
0x106: {  	v52 =	vsub.f32 v60, v5;
	v59 =	vmax.f32 v53, v56;
	v55 =	vmul.f32 $2.000000030e-01, v31  }
0x107: {  	v61 =	vmul.f32 $1.442695020e+00, v58;
	v37 =	vmul.f32 $1.442695020e+00, v37;
	v57 =	vadd.f32 v57, v54  }
0x108: {  	[tilespmem:v13+s23+$0x0] =	vst.idx.add.f32.msk $0xffff, v35;
	v13 =	vpop (erf);
	v36 =	vmul.f32 $1.442695020e+00, v52;
	v58 =	vmul.f32 $2.000000030e-01, v40;
	v31 =	vmax.f32 v31, v55  }
0x109: {  	[tilespmem:v4+s21+$0x0] =	vst.idx.add.f32.msk $0xffff, v13;
	v13 =	vpop (erf);
	(erf) = vpow2.f32 v61;
	v31 =	vsub.f32 v31, v1;
	v60 =	vmul.f32 $2.000000030e-01, v57  }
0x10a: {  	[tilespmem:v3+s21+$0x0] =	vst.idx.add.f32.msk $0xffff, v13;
	v13 =	vsub.f32 v59, v1;
	v33 =	vmax.f32 v40, v58;
	(erf) = vpow2.f32 v37  }
0x10b: {  	v33 =	vsub.f32 v33, v1;
	v31 =	vmul.f32 $1.442695020e+00, v31;
	v47 =	vmax.f32 v57, v60  }
0x10c: {  	v48 =	vld.idx.msk [tilespmem:v50+s2+$0x0], $0xffff;
	v13 =	vmul.f32 $1.442695020e+00, v13;
	(erf) = vpow2.f32 v36;
	v35 =	vsub.f32 v47, v8  }
0x10d: {  	v49 =	vor.u32 $0x300, v20;
	v61 =	vld.idx.msk [tilespmem:v46+s2+$0x0], $0xffff;
	(erf) = vpow2.f32 v31;
	v31 =	vmul.f32 $1.442695020e+00, v33  }
0x10e: {  	v50 =	vld.idx.msk [tilespmem:v51+s2+$0x0], $0xffff;
	(erf) = vpow2.f32 v13;
	v13 =	vmul.f32 $1.442695020e+00, v35  }
0x10f: {  	v51 =	vor.u32 $0x80, v34;
	v52 =	vpop (erf);
	v53 =	vld.idx.msk [tilespmem:v42+s2+$0x0], $0xffff  }
0x110: {  	v54 =	vor.u32 $0x280, v27;
	[tilespmem:v63+s21+$0x0] =	vst.idx.add.f32.msk $0xffff, v52  }
0x111: {  	v55 =	vld.idx.msk [tilespmem:v45+s2+$0x0], $0xffff;
	(erf) = vpow2.f32 v31;
	v31 =	vpop (erf)  }
0x112: {  	v56 =	vld.idx.msk [tilespmem:v49+s2+$0x0], $0xffff;
	(erf) = vpow2.f32 v13;
	v13 =	vpop (erf)  }
0x113: {  	[tilespmem:v7+s20+$0x0] =	vst.idx.add.f32.msk $0xffff, v13  }
0x114: {  	v11 =	vor.u32 $0x180, v21;
	v35 =	vor.u32 $0x380, v14;
	v14 =	vadd.f32 v53, v50;
	v38 =	vld.idx.msk [tilespmem:v51+s2+$0x0], $0xffff  }
0x115: {  	s31 =	simm.s32 $0x80E0;
	v41 =	vld.idx.msk [tilespmem:v54+s2+$0x0], $0xffff;
	[tilespmem:$0x1FF40] =	vst v11;
	v11 =	vor.u32 $0x380, v20  }
0x116: {  	s26 =	simm.s32 $0x90E0;
	v40 =	vor.u32 $0x380, v18;
	v18 =	vmul.f32 $2.000000030e-01, v14;
	v13 =	vadd.f32 v48, v61;
	v48 =	vld [tilespmem:s31+$0x10];
	[tilespmem:$0x1FF50] =	vst v11  }
0x117: {  	v11 =	vld [tilespmem:s26+$0xFFFFFFE0]  }
0x118: {  	v12 =	vmov v1;
	v18 =	vmax.f32 v14, v18;
	v1 =	vpop (erf);
	v46 =	vld [tilespmem:s26+$0xFFFFFFF0]  }
0x119: {  	v33 =	vor.u32 $0x180, v15;
	v58 =	vsub.f32 v18, v2;
	v47 =	vpop (erf);
	v15 =	vmul.f32 $2.000000030e-01, v13;
	v18 =	vld [tilespmem:s26+$0x0]  }
0x11a: {  	v21 =	vor.u32 $0x100, v26;
	v36 =	vpop (erf);
	[tilespmem:v62+s22+$0x0] =	vst.idx.add.f32.msk $0xffff, v31  }
0x11b: {  	v42 =	vor.u32 $0x180, v22;
	v22 =	vor.u32 $0x300, v24;
	v37 =	vpop (erf);
	v15 =	vmax.f32 v13, v15;
	v13 =	vld [tilespmem:s26+$0x10]  }
0x11c: {  	v52 =	vor.u32 $0x80, v32;
	v45 =	vor.u32 $0x80, v29;
	[tilespmem:v10+s20+$0x0] =	vst.idx.add.f32.msk $0xffff, v1;
	v39 =	vpop (erf);
	v57 =	vsub.f32 v15, v2  }
0x11d: {  	v44 =	vadd.f32 v56, v55;
	v55 =	vor.u32 $0x280, v30;
	v51 =	vor.u32 $0x280, v25;
	[tilespmem:v9+s20+$0x0] =	vst.idx.add.f32.msk $0xffff, v47;
	v59 =	vpop (erf)  }
0x11e: {  	v50 =	vmul.f32 $1.442695020e+00, v58;
	v49 =	vmul.f32 $1.442695020e+00, v57;
	[tilespmem:v6+s21+$0x0] =	vst.idx.add.f32.msk $0xffff, v59;
	v60 =	vshll.u32 v48, $0x3  }
0x11f: {  	v54 =	vand.u32 $0x7F, v48;
	v58 =	vld.idx.msk [tilespmem:v21+s2+$0x0], $0xffff;
	v56 =	vand.u32 $0xFFFFFC00, v60;
	v31 =	vshll.u32 v11, $0x3  }
0x120: {  	v59 =	vld.idx.msk [tilespmem:v22+s2+$0x0], $0xffff;
	v60 =	vshll.u32 v46, $0x3;
	v61 =	vshll.u32 v13, $0x3;
	v21 =	vand.u32 $0x7F, v13  }
0x121: {  	(erf) = vpow2.f32 v49;
	v22 =	vor.u32 v54, v56;
	v54 =	vld [tilespmem:s31+$0xFFFFFFF0];
	v57 =	vand.u32 $0xFFFFFC00, v61  }
0x122: {  	v15 =	vmovc v6;
	v49 =	vadd.f32 v41, v38;
	vm12 =	veq.s32 v48, v13;
	v6 =	vor.u32 v21, v57  }
0x123: {  	v48 =	vshll.u32 v18, $0x3;
	v56 =	vld [tilespmem:s31+$0xFFFFFFE0];
	v31 =	vand.u32 $0xFFFFFC00, v31;
	v41 =	vor.u32 $0x200, v6  }
0x124: {  	v45 =	vld.idx.msk [tilespmem:v45+s2+$0x0], $0xffff;
	v60 =	vand.u32 $0xFFFFFC00, v60;
	(erf) = vpow2.f32 v50;
	v57 =	vsel vm12, $0x3F800000, v0  }
0x125: {  	v61 =	vand.u32 $0x7F, v11;
	v48 =	vand.u32 $0xFFFFFC00, v48;
	[tilespmem:v13+s19+$0x0] =	vst.idx.add.f32.msk $0xffff, v57;
	v57 =	vadd.f32 v59, v58  }
0x126: {  	v50 =	vld [tilespmem:s31+$0x0];
	v38 =	vor.u32 v61, v31;
	v58 =	vand.u32 $0x7F, v46;
	v61 =	vshll.u32 v54, $0x3  }
0x127: {  	v59 =	vld.idx.msk [tilespmem:v22+s2+$0x0], $0xffff;
	v31 =	vor.u32 v58, v60;
	vm13 =	veq.s32 v54, v46;
	v60 =	vmul.f32 $2.000000030e-01, v57  }
0x128: {  	v1 =	vshll.u32 v56, $0x3;
	vm15 =	veq.s32 v56, v11;
	v56 =	vand.u32 $0x7F, v56;
	v58 =	vld.idx.msk [tilespmem:v41+s2+$0x0], $0xffff  }
0x129: {  	v52 =	vld.idx.msk [tilespmem:v52+s2+$0x0], $0xffff;
	v54 =	vand.u32 $0x7F, v54;
	v1 =	vand.u32 $0xFFFFFC00, v1;
	v47 =	vmax.f32 v57, v60  }
0x12a: {  	v55 =	vld.idx.msk [tilespmem:v55+s2+$0x0], $0xffff;
	v1 =	vor.u32 v56, v1;
	v41 =	vand.u32 $0x7F, v18;
	v47 =	vsub.f32 v47, v2  }
0x12b: {  	v51 =	vld.idx.msk [tilespmem:v51+s2+$0x0], $0xffff;
	v60 =	vshll.u32 v50, $0x3;
	v57 =	vand.u32 $0xFFFFFC00, v61;
	v61 =	vsel vm15, $0x3F800000, v0  }
0x12c: {  	v41 =	vor.u32 v41, v48;
	v48 =	vand.u32 $0xFFFFFC00, v60;
	v60 =	vmul.f32 $1.442695020e+00, v47  }
0x12d: {  	[tilespmem:$0x1FF60] =	vst v4;
	v47 =	vor.u32 v54, v57;
	v57 =	vor.u32 $0x200, v31;
	v58 =	vadd.f32 v58, v59  }
0x12e: {  	v53 =	vmul.f32 $2.000000030e-01, v44;
	v56 =	vpop (erf);
	[tilespmem:v11+s19+$0x0] =	vst.idx.add.f32.msk $0xffff, v61;
	v59 =	vor.u32 $0x200, v38  }
0x12f: {  	v61 =	vsel vm13, $0x3F800000, v0;
	[tilespmem:v4+s22+$0x0] =	vst.idx.add.f32.msk $0xffff, v56;
	(erf) = vpow2.f32 v60;
	v54 =	vmul.f32 $2.000000030e-01, v58  }
0x130: {  	v52 =	vadd.f32 v55, v52;
	v45 =	vadd.f32 v51, v45;
	[tilespmem:v46+s19+$0x0] =	vst.idx.add.f32.msk $0xffff, v61;
	v56 =	vor.u32 $0x200, v41  }
0x131: {  	vm14 =	veq.s32 v50, v18;
	v50 =	vand.u32 $0x7F, v50;
	v55 =	vld.idx.msk [tilespmem:v1+s2+$0x0], $0xffff;
	v54 =	vmax.f32 v58, v54  }
0x132: {  	v44 =	vmax.f32 v44, v53;
	v48 =	vor.u32 v50, v48;
	v53 =	vld.idx.msk [tilespmem:v57+s2+$0x0], $0xffff;
	v54 =	vsub.f32 v54, v5  }
0x133: {  	v61 =	vmul.f32 $2.000000030e-01, v49;
	v60 =	vmul.f32 $2.000000030e-01, v45;
	v58 =	vld.idx.msk [tilespmem:v59+s2+$0x0], $0xffff;
	v59 =	vsel vm14, $0x3F800000, v0  }
0x134: {  	[tilespmem:v18+s19+$0x0] =	vst.idx.add.f32.msk $0xffff, v59;
	v50 =	vmul.f32 $1.442695020e+00, v54  }
0x135: {  	v49 =	vmax.f32 v49, v61;
	v61 =	vmul.f32 $2.000000030e-01, v52;
	v56 =	vld.idx.msk [tilespmem:v56+s2+$0x0], $0xffff  }
0x136: {  	(erf) = vpow2.f32 v50;
	v50 =	vld.idx.msk [tilespmem:v47+s2+$0x0], $0xffff  }
0x137: {  	v43 =	vor.u32 $0x380, v19;
	v52 =	vmax.f32 v52, v61;
	v45 =	vmax.f32 v45, v60;
	v60 =	vpop (erf);
	v61 =	vld.idx.msk [tilespmem:v48+s2+$0x0], $0xffff;
	[tilespmem:$0x1FF70] =	vst v3  }
0x138: {  	v24 =	vor.u32 $0x380, v24;
	v49 =	vsub.f32 v49, v8;
	v59 =	vpop (erf);
	[tilespmem:v3+s22+$0x0] =	vst.idx.add.f32.msk $0xffff, v60  }
0x139: {  	v26 =	vor.u32 $0x180, v26;
	[tilespmem:v15+s22+$0x0] =	vst.idx.add.f32.msk $0xffff, v59  }
0x13a: {  	v28 =	vor.u32 $0x180, v28;
	v49 =	vmul.f32 $1.442695020e+00, v49;
	v45 =	vsub.f32 v45, v8;
	[tilespmem:$0x1FF80] =	vst v2  }
0x13b: {  	v52 =	vsub.f32 v52, v8;
	v42 =	vld.idx.msk [tilespmem:v42+s2+$0x0], $0xffff;
	v50 =	vadd.f32 v53, v50  }
0x13c: {  	v45 =	vmul.f32 $1.442695020e+00, v45;
	(erf) = vpow2.f32 v49;
	v43 =	vld.idx.msk [tilespmem:v43+s2+$0x0], $0xffff  }
0x13d: {  	v60 =	vmul.f32 $1.442695020e+00, v52;
	v3 =	vld.idx.msk [tilespmem:v24+s2+$0x0], $0xffff;
	v24 =	vmul.f32 $2.000000030e-01, v50  }
0x13e: {  	v55 =	vadd.f32 v58, v55;
	(erf) = vpow2.f32 v45;
	v52 =	vld.idx.msk [tilespmem:v26+s2+$0x0], $0xffff  }
0x13f: {  	v44 =	vsub.f32 v44, v2;
	v2 =	vor.u32 $0x180, v29;
	(erf) = vpow2.f32 v60;
	v60 =	vld.idx.msk [tilespmem:v28+s2+$0x0], $0xffff  }
0x140: {  	v58 =	vmul.f32 $2.000000030e-01, v55;
	v40 =	vld.idx.msk [tilespmem:v40+s2+$0x0], $0xffff;
	[tilespmem:$0x1FF90] =	vst v2;
	v2 =	vor.u32 $0x380, v25  }
0x141: {  	[tilespmem:$0x1FFA0] =	vst v2;
	v50 =	vmax.f32 v50, v24;
	v24 =	vpop (erf)  }
0x142: {  	v2 =	vor.u32 $0x180, v32;
	v45 =	vmax.f32 v55, v58;
	v55 =	vor.u32 $0x80, v22;
	[tilespmem:v13+s20+$0x0] =	vst.idx.add.f32.msk $0xffff, v24  }
0x143: {  	v19 =	vor.u32 $0x380, v27;
	v44 =	vmul.f32 $1.442695020e+00, v44;
	[tilespmem:$0x1FFB0] =	vst v2;
	v2 =	vor.u32 $0x380, v30  }
0x144: {  	v14 =	vor.u32 $0x180, v34;
	v51 =	vor.u32 $0x300, v27;
	v56 =	vadd.f32 v56, v61;
	[tilespmem:$0x1FFC0] =	vst v2  }
0x145: {  	v21 =	vor.u32 $0x180, v1;
	v59 =	vor.u32 $0x300, v30;
	(erf) = vpow2.f32 v44;
	v30 =	vld.idx.msk [tilespmem:v33+s2+$0x0], $0xffff  }
0x146: {  	v61 =	vmul.f32 $2.000000030e-01, v56;
	v45 =	vsub.f32 v45, v5;
	v50 =	vsub.f32 v50, v5;
	v33 =	vld.idx.msk [tilespmem:v35+s2+$0x0], $0xffff  }
0x147: {  	v44 =	vor.u32 $0x280, v6;
	v53 =	vor.u32 $0x100, v32;
	v3 =	vadd.f32 v3, v52;
	v52 =	vld.idx.msk [tilespmem:v55+s2+$0x0], $0xffff;
	[tilespmem:$0x1FFD0] =	vst v5  }
0x148: {  	v32 =	vmul.f32 $1.442695020e+00, v45;
	v2 =	vmax.f32 v56, v61;
	[tilespmem:v23+s23+$0x0] =	vst.idx.add.f32.msk $0xffff, v36;
	v23 =	vmul.f32 $1.442695020e+00, v50  }
0x149: {  	v27 =	vor.u32 $0x100, v48;
	v57 =	vor.u32 $0x100, v34;
	v2 =	vsub.f32 v2, v5  }
0x14a: {  	v54 =	vor.u32 $0x100, v29;
	v49 =	vor.u32 $0x300, v25;
	v28 =	vmovc v10;
	(erf) = vpow2.f32 v32  }
0x14b: {  	v34 =	vmovc v6;
	v29 =	vor.u32 $0x100, v47;
	[tilespmem:v17+s23+$0x0] =	vst.idx.add.f32.msk $0xffff, v37;
	v17 =	vmul.f32 $1.442695020e+00, v2;
	v2 =	vmul.f32 $2.000000030e-01, v3  }
0x14c: {  	v10 =	vor.u32 $0x80, v48;
	v61 =	vadd.f32 v43, v42;
	v44 =	vld.idx.msk [tilespmem:v44+s2+$0x0], $0xffff;
	(erf) = vpow2.f32 v23;
	v23 =	vpop (erf)  }
0x14d: {  	v25 =	vor.u32 $0x300, v41;
	v50 =	vadd.f32 v40, v60;
	[tilespmem:v7+s21+$0x0] =	vst.idx.add.f32.msk $0xffff, v23;
	v23 =	vmax.f32 v3, v2  }
0x14e: {  	v6 =	vor.u32 $0x80, v47;
	[tilespmem:v16+s23+$0x0] =	vst.idx.add.f32.msk $0xffff, v39;
	v16 =	vadd.f32 v33, v30;
	v30 =	vpop (erf);
	v23 =	vsub.f32 v23, v12  }
0x14f: {  	v58 =	vor.u32 $0x280, v38;
	(erf) = vpow2.f32 v17;
	v17 =	vmul.f32 $2.000000030e-01, v61;
	[tilespmem:v28+s21+$0x0] =	vst.idx.add.f32.msk $0xffff, v30  }
0x150: {  	v56 =	vor.u32 $0x80, v1;
	v3 =	vmul.f32 $2.000000030e-01, v50;
	v30 =	vpop (erf);
	v2 =	vld.idx.msk [tilespmem:v57+s2+$0x0], $0xffff;
	v23 =	vmul.f32 $1.442695020e+00, v23  }
0x151: {  	v52 =	vadd.f32 v44, v52;
	[tilespmem:v9+s21+$0x0] =	vst.idx.add.f32.msk $0xffff, v30;
	v17 =	vmax.f32 v61, v17;
	v30 =	vmul.f32 $2.000000030e-01, v16  }
0x152: {  	v42 =	vor.u32 $0x280, v31;
	v32 =	vmax.f32 v50, v3;
	v3 =	vld.idx.msk [tilespmem:v51+s2+$0x0], $0xffff;
	v17 =	vsub.f32 v17, v12  }
0x153: {  	v55 =	vmul.f32 $2.000000030e-01, v52;
	v49 =	vld.idx.msk [tilespmem:v49+s2+$0x0], $0xffff;
	v32 =	vsub.f32 v32, v12;
	v16 =	vmax.f32 v16, v30  }
0x154: {  	v30 =	vld.idx.msk [tilespmem:v54+s2+$0x0], $0xffff;
	[tilespmem:$0x1FFE0] =	vst v12;
	(erf) = vpow2.f32 v23;
	v17 =	vmul.f32 $1.442695020e+00, v17;
	v16 =	vsub.f32 v16, v12;
	v23 =	vpop (erf)  }
0x155: {  	v40 =	vor.u32 $0x280, v41;
	v37 =	vor.u32 $0x100, v1;
	v32 =	vmul.f32 $1.442695020e+00, v32;
	[tilespmem:v63+s22+$0x0] =	vst.idx.add.f32.msk $0xffff, v23  }
0x156: {  	v26 =	vmovc v7;
	v33 =	vmax.f32 v52, v55;
	(erf) = vpow2.f32 v17;
	v17 =	vld.idx.msk [tilespmem:v53+s2+$0x0], $0xffff;
	v16 =	vmul.f32 $1.442695020e+00, v16;
	[tilespmem:$0x1FFF0] =	vst v8  }
0x157: {  	v60 =	vsub.f32 v33, v8;
	v57 =	vadd.f32 v3, v2;
	(erf) = vpow2.f32 v32;
	v23 =	vpop (erf);
	v61 =	vld.idx.msk [tilespmem:v59+s2+$0x0], $0xffff  }
0x158: {  	v39 =	vor.u32 $0x300, v38;
	v36 =	vor.u32 $0x300, v31;
	(erf) = vpow2.f32 v16;
	[tilespmem:v11+s20+$0x0] =	vst.idx.add.f32.msk $0xffff, v23;
	v23 =	vpop (erf)  }
0x159: {  	v24 =	vmovc v9;
	v43 =	vmovc v11;
	v38 =	vor.u32 $0x380, v38;
	v16 =	vmul.f32 $1.442695020e+00, v60;
	v1 =	vmul.f32 $2.000000030e-01, v57;
	[tilespmem:v46+s20+$0x0] =	vst.idx.add.f32.msk $0xffff, v23  }
0x15a: {  	v35 =	vmovc v11;
	v31 =	vor.u32 $0x380, v31;
	v33 =	vmovc v18;
	v32 =	vor.u32 $0x180, v47;
	v50 =	vadd.f32 v49, v30;
	v52 =	vld.idx.msk [tilespmem:v56+s2+$0x0], $0xffff  }
0x15b: {  	v30 =	vor.u32 $0x180, v48;
	v23 =	vpop (erf);
	(erf) = vpow2.f32 v16;
	v51 =	vld.idx.msk [tilespmem:v58+s2+$0x0], $0xffff;
	v54 =	vmax.f32 v57, v1  }
0x15c: {  	s29 =	simm.s32 $0x8120;
	s28 =	simm.s32 $0xC;
	v53 =	vmul.f32 $2.000000030e-01, v50;
	[tilespmem:v18+s20+$0x0] =	vst.idx.add.f32.msk $0xffff, v23;
	v23 =	vor.u32 $0x380, v41;
	v49 =	vadd.f32 v61, v17;
	v17 =	vmovc v9  }
.LBB2_4:
0x15d: {  	_ = 	snop  }
0x15e: {  	v9 =	vld [tilespmem:$0x1FF80]  }
0x15f: {  	v55 =	vld [tilespmem:s29+$0x10];
	v47 =	vpop (erf)  }
0x160: {  	s26 =	sadd.s32 $0x40, s26;
	[tilespmem:v15+s23+$0x0] =	vst.idx.add.f32.msk $0xffff, v47  }
0x161: {  	[tilespmem:$0x1FF00] =	vst v27;
	v27 =	vmov v13;
	v13 =	vld [tilespmem:s26+$0x10]  }
0x162: {  	[tilespmem:$0x1FEE0] =	vst v63;
	v63 =	vld [tilespmem:s29+$0x0];
	v2 =	vmul.f32 $2.000000030e-01, v49  }
0x163: {  	[tilespmem:$0x1FF10] =	vst v18;
	v56 =	vor.u32 $0x100, v22;
	v57 =	vor.u32 $0x300, v34;
	v47 =	vld [tilespmem:s26+$0xFFFFFFF0];
	v18 =	vsub.f32 v54, v9  }
0x164: {  	v48 =	vmax.f32 v50, v53;
	v49 =	vmax.f32 v49, v2;
	v2 =	vld [tilespmem:s29+$0xFFFFFFE0];
	v60 =	vadd.f32 v51, v52;
	v53 =	vpop (erf)  }
0x165: {  	v51 =	vld [tilespmem:s29+$0xFFFFFFF0];
	v59 =	vsub.f32 v49, v9;
	v50 =	vpop (erf);
	v54 =	vmul.f32 $1.442695020e+00, v18;
	v18 =	vsub.f32 v48, v9  }
0x166: {  	[tilespmem:$0x1FEC0] =	vst v43;
	v41 =	vand.u32 $0x7F, v55;
	v43 =	vshll.u32 v55, $0x3;
	v48 =	vld [tilespmem:s26+$0xFFFFFFE0];
	v1 =	vpop (erf);
	v61 =	vshll.u32 v13, $0x3  }
0x167: {  	v49 =	vpop (erf);
	v44 =	vand.u32 $0x7F, v13;
	v58 =	vmul.f32 $1.442695020e+00, v18;
	v18 =	vld [tilespmem:s26+$0x0];
	(erf) = vpow2.f32 v54  }
0x168: {  	v54 =	vmul.f32 $1.442695020e+00, v59;
	[tilespmem:v27+s21+$0x0] =	vst.idx.add.f32.msk $0xffff, v49;
	v59 =	vand.u32 $0xFFFFFC00, v43;
	v61 =	vand.u32 $0xFFFFFC00, v61  }
0x169: {  	v56 =	vld.idx.msk [tilespmem:v56+s2+$0x0], $0xffff;
	v59 =	vor.u32 v41, v59;
	v61 =	vor.u32 v44, v61  }
0x16a: {  	[tilespmem:$0x1FED0] =	vst v1;
	vm0 =	veq.s32 v55, v13;
	v52 =	vld.idx.msk [tilespmem:v57+s2+$0x0], $0xffff;
	(erf) = vpow2.f32 v58;
	v1 =	vor.u32 $0x200, v61  }
0x16b: {  	[tilespmem:$0x1FEF0] =	vst v24;
	v4 =	vld.idx.msk [tilespmem:v6+s2+$0x0], $0xffff;
	v49 =	vshll.u32 v47, $0x3;
	v43 =	vsel vm0, $0x3F800000, v0;
	v45 =	vshll.u32 v48, $0x3  }
0x16c: {  	v24 =	vmovc v62;
	v57 =	vand.u32 $0xFFFFFC00, v49;
	[tilespmem:v13+s19+$0x0] =	vst.idx.add.f32.msk $0xffff, v43;
	v62 =	vand.u32 $0xFFFFFC00, v45;
	v45 =	vand.u32 $0x7F, v47  }
0x16d: {  	v58 =	vor.u32 v45, v57;
	v57 =	vld.idx.msk [tilespmem:v40+s2+$0x0], $0xffff  }
0x16e: {  	v41 =	vshll.u32 v18, $0x3;
	v45 =	vld.idx.msk [tilespmem:v59+s2+$0x0], $0xffff  }
0x16f: {  	v5 =	vand.u32 $0x7F, v18;
	v3 =	vand.u32 $0xFFFFFC00, v41;
	v52 =	vadd.f32 v52, v56;
	v1 =	vld.idx.msk [tilespmem:v1+s2+$0x0], $0xffff  }
0x170: {  	v7 =	vand.u32 $0x7F, v48;
	vm2 =	veq.s32 v2, v48;
	v56 =	vor.u32 v5, v3;
	v3 =	vld.idx.msk [tilespmem:v42+s2+$0x0], $0xffff;
	v55 =	vpop (erf)  }
0x171: {  	vm15 =	veq.s32 v51, v47;
	v44 =	vsel vm2, $0x3F800000, v0;
	v42 =	vmul.f32 $2.000000030e-01, v52;
	[tilespmem:v26+s22+$0x0] =	vst.idx.add.f32.msk $0xffff, v55  }
0x172: {  	[tilespmem:v48+s19+$0x0] =	vst.idx.add.f32.msk $0xffff, v44;
	v44 =	vsel vm15, $0x3F800000, v0  }
0x173: {  	v6 =	vshll.u32 v51, $0x3;
	v62 =	vor.u32 v7, v62;
	v42 =	vmax.f32 v52, v42;
	v7 =	vpop (erf);
	[tilespmem:v47+s19+$0x0] =	vst.idx.add.f32.msk $0xffff, v44  }
0x174: {  	v49 =	vshll.u32 v63, $0x3;
	v43 =	vand.u32 $0x7F, v51;
	v42 =	vsub.f32 v42, v9;
	[tilespmem:v28+s22+$0x0] =	vst.idx.add.f32.msk $0xffff, v7  }
0x175: {  	v51 =	vand.u32 $0xFFFFFC00, v49;
	v40 =	vmovc v29;
	v29 =	vmovc v28;
	v1 =	vadd.f32 v1, v45;
	v28 =	vmov v26;
	v26 =	vld [tilespmem:$0x1FFD0]  }
0x176: {  	vm1 =	veq.s32 v63, v18;
	v63 =	vand.u32 $0x7F, v63;
	v42 =	vmul.f32 $1.442695020e+00, v42  }
0x177: {  	v63 =	vor.u32 v63, v51;
	v41 =	vmul.f32 $2.000000030e-01, v1  }
0x178: {  	v8 =	vshll.u32 v2, $0x3;
	v2 =	vand.u32 $0x7F, v2;
	(erf) = vpow2.f32 v42  }
0x179: {  	v15 =	vld [tilespmem:$0x1FFF0];
	v49 =	vsel vm1, $0x3F800000, v0;
	v5 =	vand.u32 $0xFFFFFC00, v8;
	v1 =	vmax.f32 v1, v41  }
0x17a: {  	v8 =	vld.idx.msk [tilespmem:v10+s2+$0x0], $0xffff;
	v2 =	vor.u32 v2, v5;
	v5 =	vor.u32 $0x200, v56;
	v1 =	vsub.f32 v1, v26  }
0x17b: {  	[tilespmem:v18+s19+$0x0] =	vst.idx.add.f32.msk $0xffff, v49;
	v42 =	vmul.f32 $2.000000030e-01, v60  }
0x17c: {  	v55 =	vor.u32 $0x200, v62;
	v20 =	vld.idx.msk [tilespmem:v63+s2+$0x0], $0xffff;
	v1 =	vmul.f32 $1.442695020e+00, v1  }
0x17d: {  	v10 =	vld.idx.msk [tilespmem:v19+s2+$0x0], $0xffff;
	v41 =	vmov v25;
	v25 =	vmov v38;
	v38 =	vmax.f32 v60, v42  }
0x17e: {  	v7 =	vld.idx.msk [tilespmem:v14+s2+$0x0], $0xffff;
	(erf) = vpow2.f32 v1;
	v1 =	vsub.f32 v38, v15;
	v38 =	vor.u32 $0x180, v22  }
0x17f: {  	v6 =	vand.u32 $0xFFFFFC00, v6;
	v5 =	vld.idx.msk [tilespmem:v5+s2+$0x0], $0xffff  }
0x180: {  	v11 =	vor.u32 $0x200, v58;
	v3 =	vadd.f32 v3, v4;
	v4 =	vadd.f32 v57, v8;
	v8 =	vld.idx.msk [tilespmem:v2+s2+$0x0], $0xffff  }
0x181: {  	v6 =	vor.u32 v43, v6;
	v43 =	vmov v23;
	v14 =	vmov v32;
	v23 =	vld.idx.msk [tilespmem:v55+s2+$0x0], $0xffff;
	v32 =	vpop (erf)  }
0x182: {  	[tilespmem:v27+s22+$0x0] =	vst.idx.add.f32.msk $0xffff, v32  }
0x183: {  	v49 =	vmovc v21;
	v21 =	vor.u32 $0x180, v2;
	v52 =	vor.u32 $0x80, v2;
	v57 =	vor.u32 $0x100, v2;
	v2 =	vld.idx.msk [tilespmem:v38+s2+$0x0], $0xffff  }
0x184: {  	v38 =	vld [tilespmem:$0x1FFB0]  }
0x185: {  	v11 =	vld.idx.msk [tilespmem:v11+s2+$0x0], $0xffff;
	v44 =	vmul.f32 $2.000000030e-01, v3  }
0x186: {  	v51 =	vor.u32 $0x280, v62;
	v9 =	vor.u32 $0x80, v6;
	v12 =	vmul.f32 $2.000000030e-01, v4;
	v19 =	vld.idx.msk [tilespmem:v6+s2+$0x0], $0xffff  }
0x187: {  	[tilespmem:$0x1FF20] =	vst v9;
	v9 =	vor.u32 $0x80, v63;
	v55 =	vor.u32 $0x300, v62;
	v3 =	vmax.f32 v3, v44  }
0x188: {  	[tilespmem:$0x1FF30] =	vst v9;
	v4 =	vmax.f32 v4, v12;
	v12 =	vor.u32 $0x380, v34;
	v3 =	vsub.f32 v3, v15  }
0x189: {  	v9 =	vld [tilespmem:$0x1FF90];
	v4 =	vsub.f32 v4, v15;
	v8 =	vadd.f32 v23, v8;
	v1 =	vmul.f32 $1.442695020e+00, v1;
	v23 =	vmovc v38;
	v38 =	vmovc v30  }
0x18a: {  	v5 =	vadd.f32 v5, v20;
	v3 =	vmul.f32 $1.442695020e+00, v3;
	v22 =	vmovc v59;
	[tilespmem:$0x1FFB0] =	vst v38;
	v38 =	vor.u32 $0x380, v62;
	v62 =	vld [tilespmem:$0x1FFC0]  }
0x18b: {  	v20 =	vld [tilespmem:$0x1FF40];
	(erf) = vpow2.f32 v1;
	v1 =	vadd.f32 v11, v19;
	v11 =	vor.u32 $0x80, v22  }
0x18c: {  	[tilespmem:$0x1FF90] =	vst v14;
	v42 =	vmov v17;
	v17 =	vld [tilespmem:$0x1FFA0];
	v4 =	vmul.f32 $1.442695020e+00, v4;
	v32 =	vmov v31  }
0x18d: {  	[tilespmem:$0x1FFA0] =	vst v32;
	v12 =	vld.idx.msk [tilespmem:v12+s2+$0x0], $0xffff;
	(erf) = vpow2.f32 v3  }
0x18e: {  	(erf) = vpow2.f32 v4;
	v4 =	vld [tilespmem:$0x1FF50];
	[tilespmem:$0x1FF40] =	vst v23;
	v23 =	vpop (erf)  }
0x18f: {  	[tilespmem:v13+s20+$0x0] =	vst.idx.add.f32.msk $0xffff, v23;
	v32 =	vmov v62  }
0x190: {  	v14 =	vor.u32 $0x100, v6;
	[tilespmem:$0x1FF50] =	vst v32;
	v32 =	vor.u32 $0x180, v6;
	v6 =	vld.idx.msk [tilespmem:v11+s2+$0x0], $0xffff  }
0x191: {  	v11 =	vld [tilespmem:$0x1FEC0]  }
0x192: {  	v3 =	vmul.f32 $2.000000030e-01, v8  }
0x193: {  	v31 =	vmov v43;
	v30 =	vmul.f32 $2.000000030e-01, v1;
	v62 =	vmul.f32 $2.000000030e-01, v5  }
0x194: {  	v3 =	vmax.f32 v8, v3;
	[tilespmem:$0x1FFC0] =	vst v31;
	v31 =	vld [tilespmem:$0x1FF60]  }
0x195: {  	v3 =	vsub.f32 v3, v26;
	v1 =	vmax.f32 v1, v30;
	v5 =	vmax.f32 v5, v62  }
0x196: {  	v1 =	vsub.f32 v1, v26;
	v5 =	vsub.f32 v5, v26;
	v26 =	vmov v11;
	v11 =	vld [tilespmem:$0x1FF70]  }
0x197: {  	v7 =	vadd.f32 v10, v7;
	v10 =	vld [tilespmem:$0x1FED0]  }
0x198: {  	v44 =	vmov v35;
	v9 =	vld.idx.msk [tilespmem:v9+s2+$0x0], $0xffff  }
0x199: {  	v20 =	vld.idx.msk [tilespmem:v20+s2+$0x0], $0xffff  }
0x19a: {  	v17 =	vld.idx.msk [tilespmem:v17+s2+$0x0], $0xffff  }
0x19b: {  	v4 =	vld.idx.msk [tilespmem:v4+s2+$0x0], $0xffff  }
0x19c: {  	v2 =	vadd.f32 v12, v2;
	v12 =	vpop (erf);
	[tilespmem:v31+s23+$0x0] =	vst.idx.add.f32.msk $0xffff, v53  }
0x19d: {  	v8 =	vmov v28;
	v28 =	vmul.f32 $1.442695020e+00, v3;
	[tilespmem:v44+s21+$0x0] =	vst.idx.add.f32.msk $0xffff, v12  }
0x19e: {  	(erf) = vpow2.f32 v54;
	v1 =	vmul.f32 $1.442695020e+00, v1;
	[tilespmem:v11+s23+$0x0] =	vst.idx.add.f32.msk $0xffff, v50;
	v11 =	vmov v29  }
0x19f: {  	(erf) = vpow2.f32 v28;
	[tilespmem:$0x1FF70] =	vst v11;
	v11 =	vmul.f32 $2.000000030e-01, v2  }
0x1a0: {  	v9 =	vadd.f32 v17, v9;
	v3 =	vpop (erf);
	(erf) = vpow2.f32 v1;
	v12 =	vld [tilespmem:$0x1FFE0]  }
0x1a1: {  	v35 =	vmovc v61;
	v4 =	vadd.f32 v4, v20;
	v1 =	vmax.f32 v2, v11;
	v2 =	vmul.f32 $2.000000030e-01, v7  }
0x1a2: {  	v19 =	vor.u32 $0x280, v35;
	[tilespmem:v24+s23+$0x0] =	vst.idx.add.f32.msk $0xffff, v10;
	v10 =	vmul.f32 $2.000000030e-01, v9  }
0x1a3: {  	v2 =	vmax.f32 v7, v2;
	v7 =	vmul.f32 $2.000000030e-01, v4  }
0x1a4: {  	v9 =	vmax.f32 v9, v10  }
0x1a5: {  	v9 =	vsub.f32 v9, v12;
	v1 =	vsub.f32 v1, v12;
	v4 =	vmax.f32 v4, v7  }
0x1a6: {  	v2 =	vsub.f32 v2, v12;
	v12 =	vsub.f32 v4, v12;
	v4 =	vld [tilespmem:$0x1FEE0]  }
0x1a7: {  	[tilespmem:$0x1FF60] =	vst v8;
	v8 =	vld.idx.msk [tilespmem:v19+s2+$0x0], $0xffff;
	_ =	sdelay $0x3  }
0x1a8: {  	v62 =	vmov v4;
	v4 =	vld [tilespmem:$0x1FEF0]  }
0x1a9: {  	v6 =	vadd.f32 v8, v6;
	_ =	sdelay $0x1  }
0x1aa: {  	v19 =	vmov v25;
	v25 =	vmul.f32 $1.442695020e+00, v5;
	v8 =	vld.idx.msk [tilespmem:v39+s2+$0x0], $0xffff;
	v5 =	vpop (erf);
	v10 =	vmul.f32 $2.000000030e-01, v6  }
0x1ab: {  	[tilespmem:v33+s21+$0x0] =	vst.idx.add.f32.msk $0xffff, v5  }
0x1ac: {  	v59 =	vor.u32 $0x100, v63;
	v43 =	vmovc v48;
	v30 =	vor.u32 $0x180, v63;
	v63 =	vmovc v4;
	v4 =	vmax.f32 v6, v10;
	v6 =	vld [tilespmem:$0x1FF00]  }
0x1ad: {  	[tilespmem:v46+s21+$0x0] =	vst.idx.add.f32.msk $0xffff, v3  }
0x1ae: {  	v3 =	vld.idx.msk [tilespmem:v37+s2+$0x0], $0xffff;
	v1 =	vmul.f32 $1.442695020e+00, v1  }
0x1af: {  	(erf) = vpow2.f32 v25;
	v5 =	vpop (erf);
	v11 =	vld.idx.msk [tilespmem:v40+s2+$0x0], $0xffff  }
0x1b0: {  	v7 =	vld.idx.msk [tilespmem:v36+s2+$0x0], $0xffff;
	(erf) = vpow2.f32 v1;
	v1 =	vmul.f32 $1.442695020e+00, v2;
	v2 =	vpop (erf)  }
0x1b1: {  	[tilespmem:v43+s20+$0x0] =	vst.idx.add.f32.msk $0xffff, v2  }
0x1b2: {  	v52 =	vld.idx.msk [tilespmem:v52+s2+$0x0], $0xffff  }
0x1b3: {  	v16 =	vor.u32 $0x280, v56;
	v10 =	vld.idx.msk [tilespmem:v41+s2+$0x0], $0xffff  }
0x1b4: {  	v45 =	vor.u32 $0x280, v58;
	v61 =	vor.u32 $0x300, v58;
	v60 =	vor.u32 $0x300, v56;
	v34 =	vmovc v35;
	v35 =	vmovc v48;
	v6 =	vld.idx.msk [tilespmem:v6+s2+$0x0], $0xffff  }
0x1b5: {  	s28 =	sadd.s32 $0x4, s28;
	v23 =	vor.u32 $0x380, v56;
	v28 =	vmovc v46;
	v24 =	vmovc v33;
	v31 =	vor.u32 $0x380, v58;
	v39 =	vmov v55;
	[tilespmem:v42+s22+$0x0] =	vst.idx.add.f32.msk $0xffff, v5  }
0x1b6: {  	p0 =	slt.u32 s28, $0xFC;
	v33 =	vmovc v18;
	v25 =	vmovc v60;
	v9 =	vmul.f32 $1.442695020e+00, v9;
	v29 =	vmov v14;
	v40 =	vmov v16;
	v5 =	vld [tilespmem:$0x1FF10]  }
.Ltmp1:
0x1b7: {  	v3 =	vadd.f32 v8, v3;
	(erf) = vpow2.f32 v1;
	v51 =	vld.idx.msk [tilespmem:v51+s2+$0x0], $0xffff;
	v16 =	vsub.f32 v4, v15;
	v4 =	vpop (erf);
	(pc) =	sbr.rel @p0 .LBB2_4-.Ltmp1, $4  }
0x1b8: {  	v12 =	vmul.f32 $1.442695020e+00, v12;
	(erf) = vpow2.f32 v9;
	v50 =	vadd.f32 v7, v11;
	[tilespmem:v47+s20+$0x0] =	vst.idx.add.f32.msk $0xffff, v4;
	v1 =	vpop (erf)  }
0x1b9: {  	v14 =	vmovc v49;
	v46 =	vmovc v47;
	v37 =	vmov v57;
	v2 =	vmul.f32 $1.442695020e+00, v16;
	[tilespmem:v18+s20+$0x0] =	vst.idx.add.f32.msk $0xffff, v1;
	v1 =	vmul.f32 $2.000000030e-01, v3  }
0x1ba: {  	v36 =	vmovc v61;
	v53 =	vmul.f32 $2.000000030e-01, v50;
	v15 =	vmovc v27;
	(erf) = vpow2.f32 v12;
	v49 =	vadd.f32 v10, v6;
	v6 =	vld [tilespmem:$0x1FF20]  }
0x1bb: {  	s29 =	sadd.s32 $0x40, s29;
	v27 =	vmovc v59;
	(erf) = vpow2.f32 v2;
	v42 =	vmovc v45;
	v54 =	vmax.f32 v3, v1;
	v17 =	vmov v5;
	v10 =	vld [tilespmem:$0x1FF30]  }
0x1bc: {  	_ =	sdelay $0x3  }
0x1bd: {  	v47 =	vpop (erf)  }
0x1be: {  	v2 =	vor.u32 $0x100, v22;
	v8 =	vpop (erf)  }
0x1bf: {  	v1 =	vpop (erf)  }
0x1c0: {  	v3 =	vor.u32 $0x300, v34;
	v48 =	vpop (erf)  }
0x1c1: {  	v4 =	vpop (erf)  }
0x1c2: {  	[tilespmem:v13+s21+$0x0] =	vst.idx.add.f32.msk $0xffff, v4  }
0x1c3: {  	v2 =	vld.idx.msk [tilespmem:v2+s2+$0x0], $0xffff  }
0x1c4: {  	v20 =	vld [tilespmem:$0x1FF80]  }
0x1c5: {  	v3 =	vld.idx.msk [tilespmem:v3+s2+$0x0], $0xffff;
	_ =	sdelay $0x3  }
0x1c6: {  	v16 =	vmax.f32 v50, v53;
	v5 =	vsub.f32 v54, v20  }
0x1c7: {  	v4 =	vsub.f32 v16, v20;
	v2 =	vadd.f32 v3, v2  }
0x1c8: {  	v3 =	vmul.f32 $1.442695020e+00, v5  }
0x1c9: {  	v4 =	vmul.f32 $1.442695020e+00, v4;
	v7 =	vmul.f32 $2.000000030e-01, v2  }
0x1ca: {  	v41 =	vld.idx.msk [tilespmem:v42+s2+$0x0], $0xffff;
	(erf) = vpow2.f32 v3  }
0x1cb: {  	v6 =	vld.idx.msk [tilespmem:v6+s2+$0x0], $0xffff;
	v2 =	vmax.f32 v2, v7;
	(erf) = vpow2.f32 v4  }
0x1cc: {  	v2 =	vsub.f32 v2, v20  }
0x1cd: {  	v12 =	vld [tilespmem:$0x1FFF0];
	v3 =	vadd.f32 v51, v52  }
0x1ce: {  	v2 =	vmul.f32 $1.442695020e+00, v2  }
0x1cf: {  	v44 =	vmul.f32 $2.000000030e-01, v3  }
0x1d0: {  	v42 =	vadd.f32 v41, v6;
	(erf) = vpow2.f32 v2  }
0x1d1: {  	v45 =	vld.idx.msk [tilespmem:v10+s2+$0x0], $0xffff;
	v2 =	vmax.f32 v3, v44  }
0x1d2: {  	v6 =	vmul.f32 $2.000000030e-01, v42;
	v3 =	vld.idx.msk [tilespmem:v40+s2+$0x0], $0xffff;
	v2 =	vsub.f32 v2, v12  }
0x1d3: {  	v50 =	vpop (erf)  }
0x1d4: {  	v4 =	vmax.f32 v42, v6;
	v2 =	vmul.f32 $1.442695020e+00, v2;
	v51 =	vpop (erf);
	[tilespmem:v26+s22+$0x0] =	vst.idx.add.f32.msk $0xffff, v50  }
0x1d5: {  	v4 =	vsub.f32 v4, v12;
	[tilespmem:v28+s22+$0x0] =	vst.idx.add.f32.msk $0xffff, v51  }
0x1d6: {  	v52 =	vor.u32 $0x180, v22;
	(erf) = vpow2.f32 v2;
	v2 =	vld.idx.msk [tilespmem:v14+s2+$0x0], $0xffff  }
0x1d7: {  	v54 =	vor.u32 $0x380, v34;
	v4 =	vmul.f32 $1.442695020e+00, v4;
	v3 =	vadd.f32 v3, v45;
	v9 =	vld [tilespmem:$0x1FF90]  }
0x1d8: {  	v11 =	vld [tilespmem:$0x1FFA0]  }
0x1d9: {  	(erf) = vpow2.f32 v4;
	v53 =	vld.idx.msk [tilespmem:v19+s2+$0x0], $0xffff;
	v7 =	vmul.f32 $2.000000030e-01, v3;
	v55 =	vpop (erf)  }
0x1da: {  	[tilespmem:v13+s22+$0x0] =	vst.idx.add.f32.msk $0xffff, v55  }
0x1db: {  	v3 =	vmax.f32 v3, v7;
	v5 =	vld.idx.msk [tilespmem:v52+s2+$0x0], $0xffff  }
0x1dc: {  	v3 =	vsub.f32 v3, v12;
	v6 =	vld.idx.msk [tilespmem:v54+s2+$0x0], $0xffff  }
0x1dd: {  	v56 =	vld [tilespmem:$0x1FF40]  }
0x1de: {  	v10 =	vld [tilespmem:$0x1FF50];
	v3 =	vmul.f32 $1.442695020e+00, v3  }
0x1df: {  	v9 =	vld.idx.msk [tilespmem:v9+s2+$0x0], $0xffff  }
0x1e0: {  	v57 =	vpop (erf);
	v11 =	vld.idx.msk [tilespmem:v11+s2+$0x0], $0xffff  }
0x1e1: {  	[tilespmem:v35+s21+$0x0] =	vst.idx.add.f32.msk $0xffff, v57  }
0x1e2: {  	(erf) = vpow2.f32 v3;
	v3 =	vpop (erf);
	v59 =	vld.idx.msk [tilespmem:v39+s2+$0x0], $0xffff  }
0x1e3: {  	[tilespmem:v46+s21+$0x0] =	vst.idx.add.f32.msk $0xffff, v3  }
0x1e4: {  	v58 =	vmul.f32 $2.000000030e-01, v49;
	v3 =	vld.idx.msk [tilespmem:v37+s2+$0x0], $0xffff  }
0x1e5: {  	v60 =	vld.idx.msk [tilespmem:v29+s2+$0x0], $0xffff  }
0x1e6: {  	v12 =	vmax.f32 v49, v58;
	v7 =	vld.idx.msk [tilespmem:v56+s2+$0x0], $0xffff  }
0x1e7: {  	v12 =	vsub.f32 v12, v20;
	v10 =	vld.idx.msk [tilespmem:v10+s2+$0x0], $0xffff  }
0x1e8: {  	v2 =	vadd.f32 v53, v2;
	v5 =	vadd.f32 v6, v5;
	v34 =	vld [tilespmem:$0x1FFE0]  }
0x1e9: {  	v12 =	vmul.f32 $1.442695020e+00, v12;
	v22 =	vld.idx.msk [tilespmem:v36+s2+$0x0], $0xffff  }
0x1ea: {  	v61 =	vmul.f32 $2.000000030e-01, v5;
	v29 =	vmul.f32 $2.000000030e-01, v2  }
0x1eb: {  	(erf) = vpow2.f32 v12;
	v9 =	vadd.f32 v11, v9  }
0x1ec: {  	v5 =	vmax.f32 v5, v61;
	v2 =	vmax.f32 v2, v29;
	v7 =	vadd.f32 v10, v7  }
0x1ed: {  	v11 =	vmul.f32 $2.000000030e-01, v9;
	v3 =	vadd.f32 v59, v3;
	v5 =	vsub.f32 v5, v34;
	v35 =	vpop (erf)  }
0x1ee: {  	v4 =	vadd.f32 v22, v60;
	v2 =	vsub.f32 v2, v34;
	[tilespmem:v33+s21+$0x0] =	vst.idx.add.f32.msk $0xffff, v35;
	v36 =	vmul.f32 $2.000000030e-01, v7  }
0x1ef: {  	v37 =	vmax.f32 v9, v11;
	v40 =	vmul.f32 $2.000000030e-01, v3;
	v5 =	vmul.f32 $1.442695020e+00, v5;
	v39 =	vld.idx.msk [tilespmem:v27+s2+$0x0], $0xffff  }
0x1f0: {  	v6 =	vsub.f32 v37, v34;
	v41 =	vld.idx.msk [tilespmem:v25+s2+$0x0], $0xffff;
	v42 =	vmul.f32 $2.000000030e-01, v4;
	v7 =	vmax.f32 v7, v36  }
0x1f1: {  	v2 =	vmul.f32 $1.442695020e+00, v2;
	v3 =	vmax.f32 v3, v40;
	v7 =	vsub.f32 v7, v34  }
0x1f2: {  	(erf) = vpow2.f32 v5;
	v6 =	vmul.f32 $1.442695020e+00, v6;
	v3 =	vsub.f32 v3, v20  }
0x1f3: {  	v4 =	vmax.f32 v4, v42;
	(erf) = vpow2.f32 v2;
	v2 =	vmul.f32 $1.442695020e+00, v7  }
0x1f4: {  	v4 =	vsub.f32 v4, v20;
	(erf) = vpow2.f32 v6  }
0x1f5: {  	v3 =	vmul.f32 $1.442695020e+00, v3;
	(erf) = vpow2.f32 v2;
	v2 =	vadd.f32 v41, v39  }
0x1f6: {  	v4 =	vmul.f32 $1.442695020e+00, v4  }
0x1f7: {  	(erf) = vpow2.f32 v3;
	v3 =	vmul.f32 $2.000000030e-01, v2  }
0x1f8: {  	(erf) = vpow2.f32 v4  }
0x1f9: {  	v2 =	vmax.f32 v2, v3  }
0x1fa: {  	v2 =	vsub.f32 v2, v20  }
0x1fb: {  	v3 =	vpop (erf)  }
0x1fc: {  	v44 =	vpop (erf);
	v2 =	vmul.f32 $1.442695020e+00, v2  }
0x1fd: {  	v45 =	vpop (erf)  }
0x1fe: {  	v6 =	vpop (erf)  }
0x1ff: {  	v49 =	vpop (erf)  }
0x200: {  	[tilespmem:v17+s22+$0x0] =	vst.idx.add.f32.msk $0xffff, v3;
	(erf) = vpow2.f32 v2;
	v2 =	vpop (erf)  }
0x201: {  	v3 =	vpop (erf);
	[tilespmem:v43+s22+$0x0] =	vst.idx.add.f32.msk $0xffff, v2  }
0x202: {  	[tilespmem:v46+s22+$0x0] =	vst.idx.add.f32.msk $0xffff, v3  }
0x203: {  	v52 =	vld [tilespmem:$0x1FFB0]  }
0x204: {  	v12 =	vld [tilespmem:$0x1FFC0];
	_ =	sdelay $0x2  }
0x205: {  	v2 =	vld.idx.msk [tilespmem:v21+s2+$0x0], $0xffff  }
0x206: {  	v3 =	vld.idx.msk [tilespmem:v38+s2+$0x0], $0xffff  }
0x207: {  	v50 =	vld.idx.msk [tilespmem:v32+s2+$0x0], $0xffff  }
0x208: {  	v51 =	vld.idx.msk [tilespmem:v31+s2+$0x0], $0xffff  }
0x209: {  	v11 =	vld.idx.msk [tilespmem:v52+s2+$0x0], $0xffff  }
0x20a: {  	v12 =	vld.idx.msk [tilespmem:v12+s2+$0x0], $0xffff;
	_ =	sdelay $0x2  }
0x20b: {  	v2 =	vadd.f32 v3, v2  }
0x20c: {  	v3 =	vadd.f32 v51, v50  }
0x20d: {  	v56 =	vmul.f32 $2.000000030e-01, v2;
	v55 =	vadd.f32 v12, v11  }
0x20e: {  	v57 =	vmul.f32 $2.000000030e-01, v3  }
0x20f: {  	v2 =	vmax.f32 v2, v56;
	v59 =	vmul.f32 $2.000000030e-01, v55  }
0x210: {  	v53 =	vpop (erf);
	v2 =	vsub.f32 v2, v34;
	v3 =	vmax.f32 v3, v57  }
0x211: {  	[tilespmem:v18+s22+$0x0] =	vst.idx.add.f32.msk $0xffff, v53;
	v3 =	vsub.f32 v3, v34;
	v9 =	vmax.f32 v55, v59  }
0x212: {  	v14 =	vld.idx.msk [tilespmem:v30+s2+$0x0], $0xffff;
	v2 =	vmul.f32 $1.442695020e+00, v2;
	v9 =	vsub.f32 v9, v34  }
0x213: {  	v54 =	vld.idx.msk [tilespmem:v23+s2+$0x0], $0xffff;
	v3 =	vmul.f32 $1.442695020e+00, v3  }
0x214: {  	(erf) = vpow2.f32 v2;
	v2 =	vmul.f32 $1.442695020e+00, v9  }
0x215: {  	[tilespmem:v15+s23+$0x0] =	vst.idx.add.f32.msk $0xffff, v47;
	(erf) = vpow2.f32 v3  }
0x216: {  	(erf) = vpow2.f32 v2;
	v2 =	vld [tilespmem:$0x1FF60];
	_ =	sdelay $0x1  }
0x217: {  	v58 =	vadd.f32 v54, v14;
	_ =	sdelay $0x1  }
0x218: {  	v60 =	vmul.f32 $2.000000030e-01, v58;
	_ =	sdelay $0x1  }
0x219: {  	v61 =	vmax.f32 v58, v60  }
0x21a: {  	v10 =	vsub.f32 v61, v34  }
0x21b: {  	[tilespmem:v2+s23+$0x0] =	vst.idx.add.f32.msk $0xffff, v8  }
0x21c: {  	v3 =	vmul.f32 $1.442695020e+00, v10;
	v2 =	vld [tilespmem:$0x1FF70];
	_ =	sdelay $0x1  }
0x21d: {  	(erf) = vpow2.f32 v3  }
0x21e: {  	[tilespmem:v62+s23+$0x0] =	vst.idx.add.f32.msk $0xffff, v48  }
0x21f: {  	[tilespmem:v13+s23+$0x0] =	vst.idx.add.f32.msk $0xffff, v44  }
0x220: {  	[tilespmem:v26+s23+$0x0] =	vst.idx.add.f32.msk $0xffff, v45  }
0x221: {  	[tilespmem:v28+s23+$0x0] =	vst.idx.add.f32.msk $0xffff, v6  }
0x222: {  	[tilespmem:v63+s23+$0x0] =	vst.idx.add.f32.msk $0xffff, v49  }
0x223: {  	[tilespmem:v2+s23+$0x0] =	vst.idx.add.f32.msk $0xffff, v1;
	v1 =	vpop (erf)  }
0x224: {  	v2 =	vpop (erf);
	[tilespmem:v43+s23+$0x0] =	vst.idx.add.f32.msk $0xffff, v1  }
0x225: {  	v1 =	vpop (erf);
	[tilespmem:v46+s23+$0x0] =	vst.idx.add.f32.msk $0xffff, v2  }
0x226: {  	[tilespmem:v24+s23+$0x0] =	vst.idx.add.f32.msk $0xffff, v1;
	v1 =	vpop (erf)  }
0x227: {  	[tilespmem:v33+s23+$0x0] =	vst.idx.add.f32.msk $0xffff, v1  }
0x228: {  	[hbm4b:s7+s14] =	stream.strided.scatter [tilespmem:s20], [sflag:$0x1], $0x1000, s24, s14, $0x38;
	[tilespmem:$0xF200] =	vst v63  }
0x229: {  	_ =	swait.ge [sflag:s13], $0x1000  }
0x22a: {  	[sflag:s13] =	ssyncset.done $0x0  }
0x22b: {  	[sflag:s13] =	ssyncadd.s32 $0xFFFFF000  }
0x22c: {  	[hbm4b:s8+s14] =	stream.strided.scatter [tilespmem:s21], [sflag:$0x1], $0x1000, s24, s14, $0x38;
	[tilespmem:$0xF200] =	vst v63  }
0x22d: {  	_ =	swait.ge [sflag:s13], $0x1000  }
0x22e: {  	[sflag:s13] =	ssyncset.done $0x0  }
0x22f: {  	[sflag:s13] =	ssyncadd.s32 $0xFFFFF000  }
0x230: {  	[hbm4b:s9+s14] =	stream.strided.scatter [tilespmem:s22], [sflag:$0x1], $0x1000, s24, s14, $0x38;
	[tilespmem:$0xF200] =	vst v63  }
0x231: {  	_ =	swait.ge [sflag:s13], $0x1000  }
0x232: {  	[sflag:s13] =	ssyncset.done $0x0  }
0x233: {  	[sflag:s13] =	ssyncadd.s32 $0xFFFFF000  }
0x234: {  	[hbm4b:s10+s14] =	stream.strided.scatter [tilespmem:s23], [sflag:$0x1], $0x1000, s24, s14, $0x38;
	[tilespmem:$0xF200] =	vst v63  }
0x235: {  	s25 =	sadd.s32 $0x1, s25;
	_ =	swait.ge [sflag:s13], $0x1000  }
0x236: {  	p0 =	sne.s32 s25, s12;
	[sflag:s13] =	ssyncset.done $0x0  }
.Ltmp2:
0x237: {  	[sflag:s13] =	ssyncadd.s32 $0xFFFFF000;
	(pc) =	sbr.rel @p0 .LBB2_1-.Ltmp2, $4  }
0x238: {  	[hbm4b:s11+s14] =	stream.strided.scatter [tilespmem:s19], [sflag:$0x1], $0x1000, s24, s14, $0x38;
	[tilespmem:$0xF200] =	vst v63  }
0x239: {  	_ =	swait.ge [sflag:s13], $0x1000  }
0x23a: {  	[sflag:s13] =	ssyncset.done $0x0  }
0x23b: {  	[sflag:s13] =	ssyncadd.s32 $0xFFFFF000  }
0x23c: {  	_ =	sfence.sel $0x180000  }
0x23d: {  	[bflag:$0x0] =	sbarrier.arrive $0xFFFF  }
0x23e: {  	_ =	strace $0x90000047  }
0x23f: {  	s0 =	stileid.u32;
	[bflag:$0x2] =	sbarrier.arrive $0xFFFF  }
0x240: {  	p0 =	sne.s32 s0, $0x0;
	s0 =	rddreg [dreg:$0x3]  }
0x241: {  	s0 =	sadd.s32 @!p0 $0x100000, s0  }
0x242: {  	[sflag:s0] =	ssyncadd.tile.s32 @!p0 $0x1;
	_ =	shalt  }
.Lfunc_end2:
_tile_overlayer_lowered:
.L_overlay_start_2:
0x243: {  	(tag) =	ssettag $0x2  }
0x244: {  	s0 =	rddreg [dreg:$0x0];
	s2 =	stileid.u32  }
0x245: {  	s1 =	rddreg [dreg:$0x1];
	p0 =	sne.s32 s2, $0x0  }
0x246: {  	s3 =	rddreg [dreg:$0x2];
	[bflag:$0x3] =	sbarrier.arrive $0xFFFF;
	s2 =	simm.s32 @!p0 $0x1C01  }
0x247: {  	[timem:s3], [sflag:s2] =	dma.local @!p0 [hbm:s0], s1  }
0x248: {  	s0 =	simm.s32 @!p0 $0x1  }
0x249: {  	_ =	swait.ge @!p0 [sflag:s0], s1  }
0x24a: {  	s1 =	ssub.s32 @!p0 $0x0, s1;
	[sflag:s0] =	ssyncset.done @!p0 $0x0  }
0x24b: {  	[sflag:s0] =	ssyncadd.s32 @!p0 s1  }
0x24c: {  	[bflag:$0x3] =	sbarrier.arrive $0xFFFF  }
0x24d: {  	_ =	shalt  }

</sc_bundles>
